<compile_context>
chip_gen: v7x
topology: tpu7x:2x2x1
jax: 0.10.2.dev20260603
libtpu: 0.0.44.dev20260713+nightly
codegen_flags: <defaults>
</compile_context>

<pallas_src>
import jax
import jax.numpy as jnp
from jax import lax
from jax.experimental import pallas as pl
from jax.experimental.pallas import tpu as pltpu
from jax.experimental.pallas import tpu_sc as plsc

N = 10000
E = 320000
D = 128

NC, NS = 2, 16
NW = NC * NS
CHUNK = 80
NCHUNK = 128
NCHT = NC * NS * NCHUNK
CF = 1
NF = 240
NSC = 16
NT_ROWS = NF * NS + NSC * NS
EP = NT_ROWS * CHUNK
TRASH = N
R_DEG = 10240
RPT_DEG = R_DEG // NS
R_ACC = 10112
RPT_ACC = R_ACC // NS
BR = 1024
NBUF = 2
NROUND = NCHUNK // NBUF

SRC_BITS = 14
SRC_MASK = (1 << SRC_BITS) - 1

_mesh = plsc.VectorSubcoreMesh(core_axis_name="c", subcore_axis_name="s")


def _deg_body(dst3, degp, idx_v, ones_v, zrow_v, deg_acc):
  c = lax.axis_index("c")
  s = lax.axis_index("s")
  zeros16 = jnp.zeros((16,), jnp.float32)
  ones16 = jnp.ones((16,), jnp.float32)

  def fill_z(i, _):
    zrow_v[pl.ds(i * 16, 16)] = zeros16
    return 0
  lax.fori_loop(0, RPT_DEG // 16, fill_z, 0)
  for i in range(CHUNK // 16):
    ones_v[pl.ds(i * 16, 16)] = ones16

  pltpu.sync_copy(zrow_v, deg_acc.at[pl.ds(s * RPT_DEG, RPT_DEG)])
  plsc.subcore_barrier()

  w = s * NC + c
  pltpu.sync_copy(dst3.at[w], idx_v)

  def scat(j, _):
    pltpu.sync_copy(ones_v, deg_acc.at[idx_v.at[j]], add=True)
    return 0
  lax.fori_loop(0, NCHUNK, scat, 0)

  plsc.subcore_barrier()
  pltpu.sync_copy(deg_acc.at[pl.ds(s * RPT_DEG, RPT_DEG)],
                  degp.at[c, pl.ds(s * RPT_DEG, RPT_DEG)])


_sc_deg = pl.kernel(
    _deg_body,
    out_type=jax.ShapeDtypeStruct((NC, R_DEG), jnp.float32),
    mesh=_mesh,
    scratch_types=[
        pltpu.VMEM((NCHUNK, CHUNK), jnp.int32),
        pltpu.VMEM((CHUNK,), jnp.float32),
        pltpu.VMEM((RPT_DEG,), jnp.float32),
        pltpu.VMEM_SHARED((R_DEG,), jnp.float32),
    ],
)


def _scat_body(g, src2, dst2, parts, src_v, dst_v, buf0, buf1,
               sem0, sem1, acc):
  bufs = (buf0, buf1)
  sems = (sem0, sem1)
  c = lax.axis_index("c")
  s = lax.axis_index("s")
  zeros16 = jnp.zeros((16,), jnp.float32)

  def zrow(i, _):
    for k in range(D // 16):
      bufs[0][i, pl.ds(k * 16, 16)] = zeros16
    return 0
  lax.fori_loop(0, CHUNK, zrow, 0)
  nz = RPT_ACC // CHUNK
  rz = RPT_ACC - nz * CHUNK
  for j in range(nz):
    pltpu.sync_copy(bufs[0], acc.at[pl.ds(s * RPT_ACC + j * CHUNK, CHUNK)])
  pltpu.sync_copy(bufs[0].at[pl.ds(0, rz)],
                  acc.at[pl.ds(s * RPT_ACC + nz * CHUNK, rz)])

  is_fast = (c == CF)
  plsc.subcore_barrier()

  def round_(iv, _):
    descs = [pltpu.async_copy(g.at[src_v.at[iv * NBUF + b]], bufs[b],
                              sems[b]) for b in range(NBUF)]
    for b in range(NBUF):
      descs[b].wait()
      pltpu.sync_copy(bufs[b], acc.at[dst_v.at[iv * NBUF + b]], add=True)
    return 0

  st0 = jnp.where(is_fast, s * NF, NS * NF + s * NSC)
  @pl.when(is_fast)
  def _():
    pltpu.sync_copy(src2.at[pl.ds(st0, 128)], src_v)
    pltpu.sync_copy(dst2.at[pl.ds(st0, 128)], dst_v)
  @pl.when(jnp.logical_not(is_fast))
  def _():
    pltpu.sync_copy(src2.at[pl.ds(st0, NSC)], src_v.at[pl.ds(0, NSC)])
    pltpu.sync_copy(dst2.at[pl.ds(st0, NSC)], dst_v.at[pl.ds(0, NSC)])
  n0 = jnp.where(is_fast, 128, NSC)
  lax.fori_loop(0, n0 // NBUF, round_, 0)

  @pl.when(is_fast)
  def _():
    st1 = s * NF + 128
    pltpu.sync_copy(src2.at[pl.ds(st1, NF - 128)], src_v.at[pl.ds(0, NF - 128)])
    pltpu.sync_copy(dst2.at[pl.ds(st1, NF - 128)], dst_v.at[pl.ds(0, NF - 128)])
  n1 = jnp.where(is_fast, NF - 128, 0)
  lax.fori_loop(0, n1 // NBUF, round_, 0)

  plsc.subcore_barrier()
  pltpu.sync_copy(acc.at[pl.ds(s * RPT_ACC, RPT_ACC)],
                  parts.at[c, pl.ds(s * RPT_ACC, RPT_ACC)])


_sc_scatter = pl.kernel(
    _scat_body,
    out_type=jax.ShapeDtypeStruct((NC, R_ACC, D), jnp.float32),
    mesh=_mesh,
    scratch_types=[
        pltpu.VMEM((128, CHUNK), jnp.int32),
        pltpu.VMEM((128, CHUNK), jnp.int32),
        pltpu.VMEM((CHUNK, D), jnp.float32),
        pltpu.VMEM((CHUNK, D), jnp.float32),
        pltpu.SemaphoreType.DMA,
        pltpu.SemaphoreType.DMA,
        pltpu.VMEM_SHARED((R_ACC, D), jnp.float32),
    ],
    compiler_params=pltpu.CompilerParams(use_tc_tiling_on_sc=False),
)


def _mid_body(x_ref, w_ref, b_ref, degp_ref, g_ref, selfb_ref):
  h = jnp.dot(x_ref[...], w_ref[...], preferred_element_type=jnp.float32)
  deg = degp_ref[0, :] + degp_ref[1, :] + 1.0
  dis = lax.rsqrt(deg)
  g_ref[...] = h * dis[:, None]
  selfb_ref[...] = h * (1.0 / deg)[:, None] + b_ref[...]


def _tc_mid(x, W, b2, degp):
  return pl.pallas_call(
      _mid_body,
      grid=((N + BR - 1) // BR,),
      in_specs=[
          pl.BlockSpec((BR, D), lambda i: (i, 0)),
          pl.BlockSpec((D, D), lambda i: (0, 0)),
          pl.BlockSpec((1, D), lambda i: (0, 0)),
          pl.BlockSpec((NC, BR), lambda i: (0, i)),
      ],
      out_specs=[
          pl.BlockSpec((BR, D), lambda i: (i, 0)),
          pl.BlockSpec((BR, D), lambda i: (i, 0)),
      ],
      out_shape=[
          jax.ShapeDtypeStruct((N, D), jnp.float32),
          jax.ShapeDtypeStruct((N, D), jnp.float32),
      ],
  )(x, W, b2, degp)


def _final_body(parts_ref, degp_ref, selfb_ref, out_ref):
  deg = degp_ref[0, :] + degp_ref[1, :] + 1.0
  dis = lax.rsqrt(deg)
  psum = parts_ref[0] + parts_ref[1]
  out_ref[...] = selfb_ref[...] + psum * dis[:, None]


def _tc_final(parts, degp, selfb):
  return pl.pallas_call(
      _final_body,
      grid=((N + BR - 1) // BR,),
      in_specs=[
          pl.BlockSpec((NC, BR, D), lambda i: (0, i, 0)),
          pl.BlockSpec((NC, BR), lambda i: (0, i)),
          pl.BlockSpec((BR, D), lambda i: (i, 0)),
      ],
      out_specs=pl.BlockSpec((BR, D), lambda i: (i, 0)),
      out_shape=jax.ShapeDtypeStruct((N, D), jnp.float32),
  )(parts, degp, selfb)


@jax.jit
def kernel(x, edge_index, W, b):
  src = edge_index[0].astype(jnp.int32)
  dst = edge_index[1].astype(jnp.int32)
  pad = EP - E
  src2 = jnp.concatenate([src, jnp.zeros((pad,), jnp.int32)]).reshape(
      NT_ROWS, CHUNK)
  dst2 = jnp.concatenate([dst, jnp.full((pad,), TRASH, jnp.int32)]).reshape(
      NT_ROWS, CHUNK)
  degp = _sc_deg(dst2.reshape(NT_ROWS // NCHUNK, NCHUNK, CHUNK))
  g, selfb = _tc_mid(x, W, b.reshape(1, D), degp)
  parts = _sc_scatter(g, src2, dst2)
  return _tc_final(parts, degp, selfb)

# --- scband reference (transcript-rebuilt; emitter-appended) ---
"""Pipeline reference for scband-conv-pool-81819126988916 (READ-ONLY COPY).

The authoritative reference and input builder live on the scoring server;
editing this copy changes nothing except your own understanding.
"""

import jax, jax.numpy as jnp
import numpy as np

N_NODES = 10000
N_EDGES = 320000
D_IN = 128
D_OUT = 128


def setup_inputs(seed: int = 0) -> dict:
    key = jax.random.key(seed)
    k1, k2, k3, k4 = jax.random.split(key, 4)
    x = jax.random.normal(k1, (N_NODES, D_IN), dtype=jnp.float32)
    edge_index = jax.random.randint(k2, (2, N_EDGES), 0, N_NODES, dtype=jnp.int64)
    # GCNConv learned parameters (linear weight [in, out] and bias [out])
    W = jax.random.normal(k3, (D_IN, D_OUT), dtype=jnp.float32) * 0.05
    b = jax.random.normal(k4, (D_OUT,), dtype=jnp.float32) * 0.05
    return {"x": x, "edge_index": edge_index, "W": W, "b": b}


def reference(x, edge_index, W, b):
    # ConvPool with conv_operation = GCNConv(input_dim, output_dim)
    # Faithful GCNConv: add self-loops, symmetric normalization, linear, scatter-add, bias.
    N = x.shape[0]
    src = edge_index[0]
    dst = edge_index[1]
    loop = jnp.arange(N, dtype=edge_index.dtype)
    src = jnp.concatenate([src, loop])
    dst = jnp.concatenate([dst, loop])
    # degree (in-degree over dst, with self-loops), D^{-1/2} A D^{-1/2} normalization
    deg = jnp.zeros((N,), dtype=x.dtype).at[dst].add(1.0)
    deg_inv_sqrt = jnp.where(deg > 0, jax.lax.rsqrt(deg), 0.0)
    norm = deg_inv_sqrt[src] * deg_inv_sqrt[dst]
    # linear transform
    h = x @ W
    # gather messages from src, scale by norm, scatter-add into dst
    msg = h[src] * norm[:, None]
    out = jax.ops.segment_sum(msg, dst, num_segments=N)
    return out + b

if __name__ == "__main__":
    import jax
    _d = setup_inputs()
    print(jax.jit(kernel)(*tuple(_d.values())))

</pallas_src>

<mosaic_0001>
#map = affine_map<(d0, d1) -> (0, 0)>
#map1 = affine_map<(d0, d1) -> (0, 0, 0)>
module attributes {stable_mosaic.version = 14 : i64} {
  func.func @_scat_body(%arg0: i32, %arg1: i32, %arg2: memref<10000x128xf32, #tpu.memory_space<hbm>>, %arg3: memref<4096x80xi32, #tpu.memory_space<hbm>>, %arg4: memref<4096x80xi32, #tpu.memory_space<hbm>>, %arg5: memref<2x10112x128xf32, #tpu.memory_space<hbm>>, %arg6: memref<128x80xi32, #tpu.memory_space<vmem>>, %arg7: memref<128x80xi32, #tpu.memory_space<vmem>>, %arg8: memref<80x128xf32, #tpu.memory_space<vmem>>, %arg9: memref<80x128xf32, #tpu.memory_space<vmem>>, %arg10: memref<!tpu.dma_semaphore, #tpu.memory_space<semaphore_mem>>, %arg11: memref<!tpu.dma_semaphore, #tpu.memory_space<semaphore_mem>>, %arg12: memref<10112x128xf32, #tpu.memory_space<vmem_shared>>) attributes {dimension_semantics = [#tpu.dimension_semantics<core_parallel>, #tpu.dimension_semantics<subcore_parallel>], iteration_bounds = array<i64: 2, 16>, scalar_prefetch = 0 : i64, scratch_operands = 7 : i64, tpu.core_type = #tpu.core_type<sc_vector_subcore>, window_params = [{transform_indices = #map}, {transform_indices = #map}, {transform_indices = #map}, {transform_indices = #map1}]} {
    %broadcast_in_dim3A = arith.constant 0.000000e+00 : f32
    %broadcast_in_dim3A_0 = vector.broadcast %broadcast_in_dim3A : f32 to vector<16xf32>
    %scan3A = arith.constant 0 : i32
    %scan3A_1 = arith.constant 0 : i32
    %scan3A_2 = arith.constant 80 : i32
    %scan3A_3 = arith.addi %scan3A_1, %scan3A_2 : i32
    %scan3A_4 = arith.constant 1 : i32
    %scan3A_5 = scf.for %scan3A_127 = %scan3A_1 to %scan3A_3 step %scan3A_4 iter_args(%scan3A_128 = %scan3A) -> (i32)  : i32 {
      %swap3A = arith.index_cast %scan3A_127 : i32 to index
      %swap3A_129 = arith.constant 0 : index
      %swap3A_130 = tpu.vector_load %arg8[%swap3A, %swap3A_129] {strides = array<i32>} : memref<80x128xf32, #tpu.memory_space<vmem>>, vector<1x16xf32>,
      %swap3A_131 = vector.shape_cast %swap3A_130 : vector<1x16xf32> to vector<16xf32>
      %swap3A_132 = vector.shape_cast %broadcast_in_dim3A_0 : vector<16xf32> to vector<1x16xf32>
      tpu.vector_store %arg8[%swap3A, %swap3A_129], %swap3A_132 {strides = array<i32>} : memref<80x128xf32, #tpu.memory_space<vmem>>, vector<1x16xf32>,
      %swap3A_133 = arith.index_cast %scan3A_127 : i32 to index
      %swap3A_134 = arith.constant 16 : index
      %swap3A_135 = tpu.vector_load %arg8[%swap3A_133, %swap3A_134] {strides = array<i32>} : memref<80x128xf32, #tpu.memory_space<vmem>>, vector<1x16xf32>,
      %swap3A_136 = vector.shape_cast %swap3A_135 : vector<1x16xf32> to vector<16xf32>
      %swap3A_137 = vector.shape_cast %broadcast_in_dim3A_0 : vector<16xf32> to vector<1x16xf32>
      tpu.vector_store %arg8[%swap3A_133, %swap3A_134], %swap3A_137 {strides = array<i32>} : memref<80x128xf32, #tpu.memory_space<vmem>>, vector<1x16xf32>,
      %swap3A_138 = arith.index_cast %scan3A_127 : i32 to index
      %swap3A_139 = arith.constant 32 : index
      %swap3A_140 = tpu.vector_load %arg8[%swap3A_138, %swap3A_139] {strides = array<i32>} : memref<80x128xf32, #tpu.memory_space<vmem>>, vector<1x16xf32>,
      %swap3A_141 = vector.shape_cast %swap3A_140 : vector<1x16xf32> to vector<16xf32>
      %swap3A_142 = vector.shape_cast %broadcast_in_dim3A_0 : vector<16xf32> to vector<1x16xf32>
      tpu.vector_store %arg8[%swap3A_138, %swap3A_139], %swap3A_142 {strides = array<i32>} : memref<80x128xf32, #tpu.memory_space<vmem>>, vector<1x16xf32>,
      %swap3A_143 = arith.index_cast %scan3A_127 : i32 to index
      %swap3A_144 = arith.constant 48 : index
      %swap3A_145 = tpu.vector_load %arg8[%swap3A_143, %swap3A_144] {strides = array<i32>} : memref<80x128xf32, #tpu.memory_space<vmem>>, vector<1x16xf32>,
      %swap3A_146 = vector.shape_cast %swap3A_145 : vector<1x16xf32> to vector<16xf32>
      %swap3A_147 = vector.shape_cast %broadcast_in_dim3A_0 : vector<16xf32> to vector<1x16xf32>
      tpu.vector_store %arg8[%swap3A_143, %swap3A_144], %swap3A_147 {strides = array<i32>} : memref<80x128xf32, #tpu.memory_space<vmem>>, vector<1x16xf32>,
      %swap3A_148 = arith.index_cast %scan3A_127 : i32 to index
      %swap3A_149 = arith.constant 64 : index
      %swap3A_150 = tpu.vector_load %arg8[%swap3A_148, %swap3A_149] {strides = array<i32>} : memref<80x128xf32, #tpu.memory_space<vmem>>, vector<1x16xf32>,
      %swap3A_151 = vector.shape_cast %swap3A_150 : vector<1x16xf32> to vector<16xf32>
      %swap3A_152 = vector.shape_cast %broadcast_in_dim3A_0 : vector<16xf32> to vector<1x16xf32>
      tpu.vector_store %arg8[%swap3A_148, %swap3A_149], %swap3A_152 {strides = array<i32>} : memref<80x128xf32, #tpu.memory_space<vmem>>, vector<1x16xf32>,
      %swap3A_153 = arith.index_cast %scan3A_127 : i32 to index
      %swap3A_154 = arith.constant 80 : index
      %swap3A_155 = tpu.vector_load %arg8[%swap3A_153, %swap3A_154] {strides = array<i32>} : memref<80x128xf32, #tpu.memory_space<vmem>>, vector<1x16xf32>,
      %swap3A_156 = vector.shape_cast %swap3A_155 : vector<1x16xf32> to vector<16xf32>
      %swap3A_157 = vector.shape_cast %broadcast_in_dim3A_0 : vector<16xf32> to vector<1x16xf32>
      tpu.vector_store %arg8[%swap3A_153, %swap3A_154], %swap3A_157 {strides = array<i32>} : memref<80x128xf32, #tpu.memory_space<vmem>>, vector<1x16xf32>,
      %swap3A_158 = arith.index_cast %scan3A_127 : i32 to index
      %swap3A_159 = arith.constant 96 : index
      %swap3A_160 = tpu.vector_load %arg8[%swap3A_158, %swap3A_159] {strides = array<i32>} : memref<80x128xf32, #tpu.memory_space<vmem>>, vector<1x16xf32>,
      %swap3A_161 = vector.shape_cast %swap3A_160 : vector<1x16xf32> to vector<16xf32>
      %swap3A_162 = vector.shape_cast %broadcast_in_dim3A_0 : vector<16xf32> to vector<1x16xf32>
      tpu.vector_store %arg8[%swap3A_158, %swap3A_159], %swap3A_162 {strides = array<i32>} : memref<80x128xf32, #tpu.memory_space<vmem>>, vector<1x16xf32>,
      %swap3A_163 = arith.index_cast %scan3A_127 : i32 to index
      %swap3A_164 = arith.constant 112 : index
      %swap3A_165 = tpu.vector_load %arg8[%swap3A_163, %swap3A_164] {strides = array<i32>} : memref<80x128xf32, #tpu.memory_space<vmem>>, vector<1x16xf32>,
      %swap3A_166 = vector.shape_cast %swap3A_165 : vector<1x16xf32> to vector<16xf32>
      %swap3A_167 = vector.shape_cast %broadcast_in_dim3A_0 : vector<16xf32> to vector<1x16xf32>
      tpu.vector_store %arg8[%swap3A_163, %swap3A_164], %swap3A_167 {strides = array<i32>} : memref<80x128xf32, #tpu.memory_space<vmem>>, vector<1x16xf32>,
      %scan3A_168 = arith.constant 0 : i32
      scf.yield %scan3A_168 : i32
    }
    %scan3A_6 = arith.constant 80 : i32
    %mul3A = arith.constant 632 : i32
    %mul3A_7 = arith.muli %arg1, %mul3A : i32
    %add3A = arith.constant 0 : i32
    %add3A_8 = arith.addi %mul3A_7, %add3A : i32
    "tpu.region"() ({
      %run_scoped3A = tpu.sem_alloc : memref<!tpu.dma_semaphore, #tpu.memory_space<semaphore_mem>>
      %dma_start3A = arith.constant 0 : i32
      %dma_start3A_127 = tpu.memref_slice %arg12[%add3A_8, %dma_start3A] : memref<10112x128xf32, #tpu.memory_space<vmem_shared>> -> memref<80x128xf32, #tpu.memory_space<vmem_shared>>
      %dma_start3A_128 = arith.constant 0 : i32
      %dma_start3A_129 = tpu.memref_slice %arg12[%add3A_8, %dma_start3A_128] : memref<10112x128xf32, #tpu.memory_space<vmem_shared>> -> memref<80x128xf32, #tpu.memory_space<vmem_shared>>
      tpu.enqueue_dma source(%arg8 : memref<80x128xf32, #tpu.memory_space<vmem>>) target(%dma_start3A_129 : memref<80x128xf32, #tpu.memory_space<vmem_shared>>) target_semaphore(%run_scoped3A : memref<!tpu.dma_semaphore, #tpu.memory_space<semaphore_mem>>)
      %dma_wait3A = arith.constant 0 : i32
      %dma_wait3A_130 = tpu.memref_slice %arg12[%add3A_8, %dma_wait3A] : memref<10112x128xf32, #tpu.memory_space<vmem_shared>> -> memref<80x128xf32, #tpu.memory_space<vmem_shared>>
      %dma_wait3A_131 = arith.constant 0 : i32
      %dma_wait3A_132 = tpu.memref_slice %arg12[%add3A_8, %dma_wait3A_131] : memref<10112x128xf32, #tpu.memory_space<vmem_shared>> -> memref<80x128xf32, #tpu.memory_space<vmem_shared>>
      tpu.wait_dma2 semaphore(%run_scoped3A : memref<!tpu.dma_semaphore, #tpu.memory_space<semaphore_mem>>) src(%arg8 : memref<80x128xf32, #tpu.memory_space<vmem>>) dst(%dma_wait3A_132 : memref<80x128xf32, #tpu.memory_space<vmem_shared>>)
      tpu.yield
    }) : () -> ()
    %mul3A_9 = arith.constant 632 : i32
    %mul3A_10 = arith.muli %arg1, %mul3A_9 : i32
    %add3A_11 = arith.constant 80 : i32
    %add3A_12 = arith.addi %mul3A_10, %add3A_11 : i32
    "tpu.region"() ({
      %run_scoped3A = tpu.sem_alloc : memref<!tpu.dma_semaphore, #tpu.memory_space<semaphore_mem>>
      %dma_start3A = arith.constant 0 : i32
      %dma_start3A_127 = tpu.memref_slice %arg12[%add3A_12, %dma_start3A] : memref<10112x128xf32, #tpu.memory_space<vmem_shared>> -> memref<80x128xf32, #tpu.memory_space<vmem_shared>>
      %dma_start3A_128 = arith.constant 0 : i32
      %dma_start3A_129 = tpu.memref_slice %arg12[%add3A_12, %dma_start3A_128] : memref<10112x128xf32, #tpu.memory_space<vmem_shared>> -> memref<80x128xf32, #tpu.memory_space<vmem_shared>>
      tpu.enqueue_dma source(%arg8 : memref<80x128xf32, #tpu.memory_space<vmem>>) target(%dma_start3A_129 : memref<80x128xf32, #tpu.memory_space<vmem_shared>>) target_semaphore(%run_scoped3A : memref<!tpu.dma_semaphore, #tpu.memory_space<semaphore_mem>>)
      %dma_wait3A = arith.constant 0 : i32
      %dma_wait3A_130 = tpu.memref_slice %arg12[%add3A_12, %dma_wait3A] : memref<10112x128xf32, #tpu.memory_space<vmem_shared>> -> memref<80x128xf32, #tpu.memory_space<vmem_shared>>
      %dma_wait3A_131 = arith.constant 0 : i32
      %dma_wait3A_132 = tpu.memref_slice %arg12[%add3A_12, %dma_wait3A_131] : memref<10112x128xf32, #tpu.memory_space<vmem_shared>> -> memref<80x128xf32, #tpu.memory_space<vmem_shared>>
      tpu.wait_dma2 semaphore(%run_scoped3A : memref<!tpu.dma_semaphore, #tpu.memory_space<semaphore_mem>>) src(%arg8 : memref<80x128xf32, #tpu.memory_space<vmem>>) dst(%dma_wait3A_132 : memref<80x128xf32, #tpu.memory_space<vmem_shared>>)
      tpu.yield
    }) : () -> ()
    %mul3A_13 = arith.constant 632 : i32
    %mul3A_14 = arith.muli %arg1, %mul3A_13 : i32
    %add3A_15 = arith.constant 160 : i32
    %add3A_16 = arith.addi %mul3A_14, %add3A_15 : i32
    "tpu.region"() ({
      %run_scoped3A = tpu.sem_alloc : memref<!tpu.dma_semaphore, #tpu.memory_space<semaphore_mem>>
      %dma_start3A = arith.constant 0 : i32
      %dma_start3A_127 = tpu.memref_slice %arg12[%add3A_16, %dma_start3A] : memref<10112x128xf32, #tpu.memory_space<vmem_shared>> -> memref<80x128xf32, #tpu.memory_space<vmem_shared>>
      %dma_start3A_128 = arith.constant 0 : i32
      %dma_start3A_129 = tpu.memref_slice %arg12[%add3A_16, %dma_start3A_128] : memref<10112x128xf32, #tpu.memory_space<vmem_shared>> -> memref<80x128xf32, #tpu.memory_space<vmem_shared>>
      tpu.enqueue_dma source(%arg8 : memref<80x128xf32, #tpu.memory_space<vmem>>) target(%dma_start3A_129 : memref<80x128xf32, #tpu.memory_space<vmem_shared>>) target_semaphore(%run_scoped3A : memref<!tpu.dma_semaphore, #tpu.memory_space<semaphore_mem>>)
      %dma_wait3A = arith.constant 0 : i32
      %dma_wait3A_130 = tpu.memref_slice %arg12[%add3A_16, %dma_wait3A] : memref<10112x128xf32, #tpu.memory_space<vmem_shared>> -> memref<80x128xf32, #tpu.memory_space<vmem_shared>>
      %dma_wait3A_131 = arith.constant 0 : i32
      %dma_wait3A_132 = tpu.memref_slice %arg12[%add3A_16, %dma_wait3A_131] : memref<10112x128xf32, #tpu.memory_space<vmem_shared>> -> memref<80x128xf32, #tpu.memory_space<vmem_shared>>
      tpu.wait_dma2 semaphore(%run_scoped3A : memref<!tpu.dma_semaphore, #tpu.memory_space<semaphore_mem>>) src(%arg8 : memref<80x128xf32, #tpu.memory_space<vmem>>) dst(%dma_wait3A_132 : memref<80x128xf32, #tpu.memory_space<vmem_shared>>)
      tpu.yield
    }) : () -> ()
    %mul3A_17 = arith.constant 632 : i32
    %mul3A_18 = arith.muli %arg1, %mul3A_17 : i32
    %add3A_19 = arith.constant 240 : i32
    %add3A_20 = arith.addi %mul3A_18, %add3A_19 : i32
    "tpu.region"() ({
      %run_scoped3A = tpu.sem_alloc : memref<!tpu.dma_semaphore, #tpu.memory_space<semaphore_mem>>
      %dma_start3A = arith.constant 0 : i32
      %dma_start3A_127 = tpu.memref_slice %arg12[%add3A_20, %dma_start3A] : memref<10112x128xf32, #tpu.memory_space<vmem_shared>> -> memref<80x128xf32, #tpu.memory_space<vmem_shared>>
      %dma_start3A_128 = arith.constant 0 : i32
      %dma_start3A_129 = tpu.memref_slice %arg12[%add3A_20, %dma_start3A_128] : memref<10112x128xf32, #tpu.memory_space<vmem_shared>> -> memref<80x128xf32, #tpu.memory_space<vmem_shared>>
      tpu.enqueue_dma source(%arg8 : memref<80x128xf32, #tpu.memory_space<vmem>>) target(%dma_start3A_129 : memref<80x128xf32, #tpu.memory_space<vmem_shared>>) target_semaphore(%run_scoped3A : memref<!tpu.dma_semaphore, #tpu.memory_space<semaphore_mem>>)
      %dma_wait3A = arith.constant 0 : i32
      %dma_wait3A_130 = tpu.memref_slice %arg12[%add3A_20, %dma_wait3A] : memref<10112x128xf32, #tpu.memory_space<vmem_shared>> -> memref<80x128xf32, #tpu.memory_space<vmem_shared>>
      %dma_wait3A_131 = arith.constant 0 : i32
      %dma_wait3A_132 = tpu.memref_slice %arg12[%add3A_20, %dma_wait3A_131] : memref<10112x128xf32, #tpu.memory_space<vmem_shared>> -> memref<80x128xf32, #tpu.memory_space<vmem_shared>>
      tpu.wait_dma2 semaphore(%run_scoped3A : memref<!tpu.dma_semaphore, #tpu.memory_space<semaphore_mem>>) src(%arg8 : memref<80x128xf32, #tpu.memory_space<vmem>>) dst(%dma_wait3A_132 : memref<80x128xf32, #tpu.memory_space<vmem_shared>>)
      tpu.yield
    }) : () -> ()
    %mul3A_21 = arith.constant 632 : i32
    %mul3A_22 = arith.muli %arg1, %mul3A_21 : i32
    %add3A_23 = arith.constant 320 : i32
    %add3A_24 = arith.addi %mul3A_22, %add3A_23 : i32
    "tpu.region"() ({
      %run_scoped3A = tpu.sem_alloc : memref<!tpu.dma_semaphore, #tpu.memory_space<semaphore_mem>>
      %dma_start3A = arith.constant 0 : i32
      %dma_start3A_127 = tpu.memref_slice %arg12[%add3A_24, %dma_start3A] : memref<10112x128xf32, #tpu.memory_space<vmem_shared>> -> memref<80x128xf32, #tpu.memory_space<vmem_shared>>
      %dma_start3A_128 = arith.constant 0 : i32
      %dma_start3A_129 = tpu.memref_slice %arg12[%add3A_24, %dma_start3A_128] : memref<10112x128xf32, #tpu.memory_space<vmem_shared>> -> memref<80x128xf32, #tpu.memory_space<vmem_shared>>
      tpu.enqueue_dma source(%arg8 : memref<80x128xf32, #tpu.memory_space<vmem>>) target(%dma_start3A_129 : memref<80x128xf32, #tpu.memory_space<vmem_shared>>) target_semaphore(%run_scoped3A : memref<!tpu.dma_semaphore, #tpu.memory_space<semaphore_mem>>)
      %dma_wait3A = arith.constant 0 : i32
      %dma_wait3A_130 = tpu.memref_slice %arg12[%add3A_24, %dma_wait3A] : memref<10112x128xf32, #tpu.memory_space<vmem_shared>> -> memref<80x128xf32, #tpu.memory_space<vmem_shared>>
      %dma_wait3A_131 = arith.constant 0 : i32
      %dma_wait3A_132 = tpu.memref_slice %arg12[%add3A_24, %dma_wait3A_131] : memref<10112x128xf32, #tpu.memory_space<vmem_shared>> -> memref<80x128xf32, #tpu.memory_space<vmem_shared>>
      tpu.wait_dma2 semaphore(%run_scoped3A : memref<!tpu.dma_semaphore, #tpu.memory_space<semaphore_mem>>) src(%arg8 : memref<80x128xf32, #tpu.memory_space<vmem>>) dst(%dma_wait3A_132 : memref<80x128xf32, #tpu.memory_space<vmem_shared>>)
      tpu.yield
    }) : () -> ()
    %mul3A_25 = arith.constant 632 : i32
    %mul3A_26 = arith.muli %arg1, %mul3A_25 : i32
    %add3A_27 = arith.constant 400 : i32
    %add3A_28 = arith.addi %mul3A_26, %add3A_27 : i32
    "tpu.region"() ({
      %run_scoped3A = tpu.sem_alloc : memref<!tpu.dma_semaphore, #tpu.memory_space<semaphore_mem>>
      %dma_start3A = arith.constant 0 : i32
      %dma_start3A_127 = tpu.memref_slice %arg12[%add3A_28, %dma_start3A] : memref<10112x128xf32, #tpu.memory_space<vmem_shared>> -> memref<80x128xf32, #tpu.memory_space<vmem_shared>>
      %dma_start3A_128 = arith.constant 0 : i32
      %dma_start3A_129 = tpu.memref_slice %arg12[%add3A_28, %dma_start3A_128] : memref<10112x128xf32, #tpu.memory_space<vmem_shared>> -> memref<80x128xf32, #tpu.memory_space<vmem_shared>>
      tpu.enqueue_dma source(%arg8 : memref<80x128xf32, #tpu.memory_space<vmem>>) target(%dma_start3A_129 : memref<80x128xf32, #tpu.memory_space<vmem_shared>>) target_semaphore(%run_scoped3A : memref<!tpu.dma_semaphore, #tpu.memory_space<semaphore_mem>>)
      %dma_wait3A = arith.constant 0 : i32
      %dma_wait3A_130 = tpu.memref_slice %arg12[%add3A_28, %dma_wait3A] : memref<10112x128xf32, #tpu.memory_space<vmem_shared>> -> memref<80x128xf32, #tpu.memory_space<vmem_shared>>
      %dma_wait3A_131 = arith.constant 0 : i32
      %dma_wait3A_132 = tpu.memref_slice %arg12[%add3A_28, %dma_wait3A_131] : memref<10112x128xf32, #tpu.memory_space<vmem_shared>> -> memref<80x128xf32, #tpu.memory_space<vmem_shared>>
      tpu.wait_dma2 semaphore(%run_scoped3A : memref<!tpu.dma_semaphore, #tpu.memory_space<semaphore_mem>>) src(%arg8 : memref<80x128xf32, #tpu.memory_space<vmem>>) dst(%dma_wait3A_132 : memref<80x128xf32, #tpu.memory_space<vmem_shared>>)
      tpu.yield
    }) : () -> ()
    %mul3A_29 = arith.constant 632 : i32
    %mul3A_30 = arith.muli %arg1, %mul3A_29 : i32
    %add3A_31 = arith.constant 480 : i32
    %add3A_32 = arith.addi %mul3A_30, %add3A_31 : i32
    "tpu.region"() ({
      %run_scoped3A = tpu.sem_alloc : memref<!tpu.dma_semaphore, #tpu.memory_space<semaphore_mem>>
      %dma_start3A = arith.constant 0 : i32
      %dma_start3A_127 = tpu.memref_slice %arg12[%add3A_32, %dma_start3A] : memref<10112x128xf32, #tpu.memory_space<vmem_shared>> -> memref<80x128xf32, #tpu.memory_space<vmem_shared>>
      %dma_start3A_128 = arith.constant 0 : i32
      %dma_start3A_129 = tpu.memref_slice %arg12[%add3A_32, %dma_start3A_128] : memref<10112x128xf32, #tpu.memory_space<vmem_shared>> -> memref<80x128xf32, #tpu.memory_space<vmem_shared>>
      tpu.enqueue_dma source(%arg8 : memref<80x128xf32, #tpu.memory_space<vmem>>) target(%dma_start3A_129 : memref<80x128xf32, #tpu.memory_space<vmem_shared>>) target_semaphore(%run_scoped3A : memref<!tpu.dma_semaphore, #tpu.memory_space<semaphore_mem>>)
      %dma_wait3A = arith.constant 0 : i32
      %dma_wait3A_130 = tpu.memref_slice %arg12[%add3A_32, %dma_wait3A] : memref<10112x128xf32, #tpu.memory_space<vmem_shared>> -> memref<80x128xf32, #tpu.memory_space<vmem_shared>>
      %dma_wait3A_131 = arith.constant 0 : i32
      %dma_wait3A_132 = tpu.memref_slice %arg12[%add3A_32, %dma_wait3A_131] : memref<10112x128xf32, #tpu.memory_space<vmem_shared>> -> memref<80x128xf32, #tpu.memory_space<vmem_shared>>
      tpu.wait_dma2 semaphore(%run_scoped3A : memref<!tpu.dma_semaphore, #tpu.memory_space<semaphore_mem>>) src(%arg8 : memref<80x128xf32, #tpu.memory_space<vmem>>) dst(%dma_wait3A_132 : memref<80x128xf32, #tpu.memory_space<vmem_shared>>)
      tpu.yield
    }) : () -> ()
    %mul3A_33 = arith.constant 632 : i32
    %mul3A_34 = arith.muli %arg1, %mul3A_33 : i32
    %add3A_35 = arith.constant 560 : i32
    %add3A_36 = arith.addi %mul3A_34, %add3A_35 : i32
    "tpu.region"() ({
      %run_scoped3A = tpu.sem_alloc : memref<!tpu.dma_semaphore, #tpu.memory_space<semaphore_mem>>
      %dma_start3A = arith.constant 0 : i32
      %dma_start3A_127 = arith.constant 0 : i32
      %dma_start3A_128 = tpu.memref_slice %arg8[%dma_start3A, %dma_start3A_127] : memref<80x128xf32, #tpu.memory_space<vmem>> -> memref<72x128xf32, #tpu.memory_space<vmem>>
      %dma_start3A_129 = arith.constant 0 : i32
      %dma_start3A_130 = tpu.memref_slice %arg12[%add3A_36, %dma_start3A_129] : memref<10112x128xf32, #tpu.memory_space<vmem_shared>> -> memref<72x128xf32, #tpu.memory_space<vmem_shared>>
      %dma_start3A_131 = arith.constant 0 : i32
      %dma_start3A_132 = tpu.memref_slice %arg12[%add3A_36, %dma_start3A_131] : memref<10112x128xf32, #tpu.memory_space<vmem_shared>> -> memref<72x128xf32, #tpu.memory_space<vmem_shared>>
      %dma_start3A_133 = arith.constant 0 : i32
      %dma_start3A_134 = arith.constant 0 : i32
      %dma_start3A_135 = tpu.memref_slice %arg8[%dma_start3A_133, %dma_start3A_134] : memref<80x128xf32, #tpu.memory_space<vmem>> -> memref<72x128xf32, #tpu.memory_space<vmem>>
      tpu.enqueue_dma source(%dma_start3A_135 : memref<72x128xf32, #tpu.memory_space<vmem>>) target(%dma_start3A_132 : memref<72x128xf32, #tpu.memory_space<vmem_shared>>) target_semaphore(%run_scoped3A : memref<!tpu.dma_semaphore, #tpu.memory_space<semaphore_mem>>)
      %dma_wait3A = arith.constant 0 : i32
      %dma_wait3A_136 = arith.constant 0 : i32
      %dma_wait3A_137 = tpu.memref_slice %arg8[%dma_wait3A, %dma_wait3A_136] : memref<80x128xf32, #tpu.memory_space<vmem>> -> memref<72x128xf32, #tpu.memory_space<vmem>>
      %dma_wait3A_138 = arith.constant 0 : i32
      %dma_wait3A_139 = tpu.memref_slice %arg12[%add3A_36, %dma_wait3A_138] : memref<10112x128xf32, #tpu.memory_space<vmem_shared>> -> memref<72x128xf32, #tpu.memory_space<vmem_shared>>
      %dma_wait3A_140 = arith.constant 0 : i32
      %dma_wait3A_141 = tpu.memref_slice %arg12[%add3A_36, %dma_wait3A_140] : memref<10112x128xf32, #tpu.memory_space<vmem_shared>> -> memref<72x128xf32, #tpu.memory_space<vmem_shared>>
      %dma_wait3A_142 = arith.constant 0 : i32
      %dma_wait3A_143 = arith.constant 0 : i32
      %dma_wait3A_144 = tpu.memref_slice %arg8[%dma_wait3A_142, %dma_wait3A_143] : memref<80x128xf32, #tpu.memory_space<vmem>> -> memref<72x128xf32, #tpu.memory_space<vmem>>
      tpu.wait_dma2 semaphore(%run_scoped3A : memref<!tpu.dma_semaphore, #tpu.memory_space<semaphore_mem>>) src(%dma_wait3A_144 : memref<72x128xf32, #tpu.memory_space<vmem>>) dst(%dma_wait3A_141 : memref<72x128xf32, #tpu.memory_space<vmem_shared>>)
      tpu.yield
    }) : () -> ()
    %eq3A = arith.constant 1 : i32
    %eq3A_37 = arith.cmpi eq, %arg0, %eq3A : i32
    %barrier3A = arith.constant 0 : index
    tpu.barrier barrier_id(%barrier3A)
    %mul3A_38 = arith.constant 240 : i32
    %mul3A_39 = arith.muli %arg1, %mul3A_38 : i32
    %mul3A_40 = arith.constant 16 : i32
    %mul3A_41 = arith.muli %arg1, %mul3A_40 : i32
    %add3A_42 = arith.constant 3840 : i32
    %add3A_43 = arith.addi %add3A_42, %mul3A_41 : i32
    %select_n3A = arith.select %eq3A_37, %mul3A_39, %add3A_43 : i32
    %convert_element_type3A = arith.extui %eq3A_37 : i1 to i32
    %cond3A = arith.constant 0 : i32
    %cond3A_44 = arith.cmpi ne, %convert_element_type3A, %cond3A : i32
    scf.if %cond3A_44 {
      "tpu.region"() ({
        %run_scoped3A = tpu.sem_alloc : memref<!tpu.dma_semaphore, #tpu.memory_space<semaphore_mem>>
        %dma_start3A = arith.constant 0 : i32
        %dma_start3A_127 = tpu.memref_slice %arg3[%select_n3A, %dma_start3A] : memref<4096x80xi32, #tpu.memory_space<hbm>> -> memref<128x80xi32, #tpu.memory_space<hbm>>
        %dma_start3A_128 = arith.constant 0 : i32
        %dma_start3A_129 = tpu.memref_slice %arg3[%select_n3A, %dma_start3A_128] : memref<4096x80xi32, #tpu.memory_space<hbm>> -> memref<128x80xi32, #tpu.memory_space<hbm>>
        tpu.enqueue_dma source(%dma_start3A_129 : memref<128x80xi32, #tpu.memory_space<hbm>>) target(%arg6 : memref<128x80xi32, #tpu.memory_space<vmem>>) target_semaphore(%run_scoped3A : memref<!tpu.dma_semaphore, #tpu.memory_space<semaphore_mem>>)
        %dma_wait3A = arith.constant 0 : i32
        %dma_wait3A_130 = tpu.memref_slice %arg3[%select_n3A, %dma_wait3A] : memref<4096x80xi32, #tpu.memory_space<hbm>> -> memref<128x80xi32, #tpu.memory_space<hbm>>
        %dma_wait3A_131 = arith.constant 0 : i32
        %dma_wait3A_132 = tpu.memref_slice %arg3[%select_n3A, %dma_wait3A_131] : memref<4096x80xi32, #tpu.memory_space<hbm>> -> memref<128x80xi32, #tpu.memory_space<hbm>>
        tpu.wait_dma2 semaphore(%run_scoped3A : memref<!tpu.dma_semaphore, #tpu.memory_space<semaphore_mem>>) src(%dma_wait3A_132 : memref<128x80xi32, #tpu.memory_space<hbm>>) dst(%arg6 : memref<128x80xi32, #tpu.memory_space<vmem>>)
        tpu.yield
      }) : () -> ()
      "tpu.region"() ({
        %run_scoped3A = tpu.sem_alloc : memref<!tpu.dma_semaphore, #tpu.memory_space<semaphore_mem>>
        %dma_start3A = arith.constant 0 : i32
        %dma_start3A_127 = tpu.memref_slice %arg4[%select_n3A, %dma_start3A] : memref<4096x80xi32, #tpu.memory_space<hbm>> -> memref<128x80xi32, #tpu.memory_space<hbm>>
        %dma_start3A_128 = arith.constant 0 : i32
        %dma_start3A_129 = tpu.memref_slice %arg4[%select_n3A, %dma_start3A_128] : memref<4096x80xi32, #tpu.memory_space<hbm>> -> memref<128x80xi32, #tpu.memory_space<hbm>>
        tpu.enqueue_dma source(%dma_start3A_129 : memref<128x80xi32, #tpu.memory_space<hbm>>) target(%arg7 : memref<128x80xi32, #tpu.memory_space<vmem>>) target_semaphore(%run_scoped3A : memref<!tpu.dma_semaphore, #tpu.memory_space<semaphore_mem>>)
        %dma_wait3A = arith.constant 0 : i32
        %dma_wait3A_130 = tpu.memref_slice %arg4[%select_n3A, %dma_wait3A] : memref<4096x80xi32, #tpu.memory_space<hbm>> -> memref<128x80xi32, #tpu.memory_space<hbm>>
        %dma_wait3A_131 = arith.constant 0 : i32
        %dma_wait3A_132 = tpu.memref_slice %arg4[%select_n3A, %dma_wait3A_131] : memref<4096x80xi32, #tpu.memory_space<hbm>> -> memref<128x80xi32, #tpu.memory_space<hbm>>
        tpu.wait_dma2 semaphore(%run_scoped3A : memref<!tpu.dma_semaphore, #tpu.memory_space<semaphore_mem>>) src(%dma_wait3A_132 : memref<128x80xi32, #tpu.memory_space<hbm>>) dst(%arg7 : memref<128x80xi32, #tpu.memory_space<vmem>>)
        tpu.yield
      }) : () -> ()
    } else {
    }
    %not3A = arith.constant true
    %not3A_45 = arith.xori %eq3A_37, %not3A : i1
    %convert_element_type3A_46 = arith.extui %not3A_45 : i1 to i32
    %cond3A_47 = arith.constant 0 : i32
    %cond3A_48 = arith.cmpi ne, %convert_element_type3A_46, %cond3A_47 : i32
    scf.if %cond3A_48 {
      "tpu.region"() ({
        %run_scoped3A = tpu.sem_alloc : memref<!tpu.dma_semaphore, #tpu.memory_space<semaphore_mem>>
        %dma_start3A = arith.constant 0 : i32
        %dma_start3A_127 = arith.constant 0 : i32
        %dma_start3A_128 = tpu.memref_slice %arg6[%dma_start3A, %dma_start3A_127] : memref<128x80xi32, #tpu.memory_space<vmem>> -> memref<16x80xi32, #tpu.memory_space<vmem>>
        %dma_start3A_129 = arith.constant 0 : i32
        %dma_start3A_130 = tpu.memref_slice %arg3[%select_n3A, %dma_start3A_129] : memref<4096x80xi32, #tpu.memory_space<hbm>> -> memref<16x80xi32, #tpu.memory_space<hbm>>
        %dma_start3A_131 = arith.constant 0 : i32
        %dma_start3A_132 = arith.constant 0 : i32
        %dma_start3A_133 = tpu.memref_slice %arg6[%dma_start3A_131, %dma_start3A_132] : memref<128x80xi32, #tpu.memory_space<vmem>> -> memref<16x80xi32, #tpu.memory_space<vmem>>
        %dma_start3A_134 = arith.constant 0 : i32
        %dma_start3A_135 = tpu.memref_slice %arg3[%select_n3A, %dma_start3A_134] : memref<4096x80xi32, #tpu.memory_space<hbm>> -> memref<16x80xi32, #tpu.memory_space<hbm>>
        tpu.enqueue_dma source(%dma_start3A_135 : memref<16x80xi32, #tpu.memory_space<hbm>>) target(%dma_start3A_133 : memref<16x80xi32, #tpu.memory_space<vmem>>) target_semaphore(%run_scoped3A : memref<!tpu.dma_semaphore, #tpu.memory_space<semaphore_mem>>)
        %dma_wait3A = arith.constant 0 : i32
        %dma_wait3A_136 = arith.constant 0 : i32
        %dma_wait3A_137 = tpu.memref_slice %arg6[%dma_wait3A, %dma_wait3A_136] : memref<128x80xi32, #tpu.memory_space<vmem>> -> memref<16x80xi32, #tpu.memory_space<vmem>>
        %dma_wait3A_138 = arith.constant 0 : i32
        %dma_wait3A_139 = tpu.memref_slice %arg3[%select_n3A, %dma_wait3A_138] : memref<4096x80xi32, #tpu.memory_space<hbm>> -> memref<16x80xi32, #tpu.memory_space<hbm>>
        %dma_wait3A_140 = arith.constant 0 : i32
        %dma_wait3A_141 = arith.constant 0 : i32
        %dma_wait3A_142 = tpu.memref_slice %arg6[%dma_wait3A_140, %dma_wait3A_141] : memref<128x80xi32, #tpu.memory_space<vmem>> -> memref<16x80xi32, #tpu.memory_space<vmem>>
        %dma_wait3A_143 = arith.constant 0 : i32
        %dma_wait3A_144 = tpu.memref_slice %arg3[%select_n3A, %dma_wait3A_143] : memref<4096x80xi32, #tpu.memory_space<hbm>> -> memref<16x80xi32, #tpu.memory_space<hbm>>
        tpu.wait_dma2 semaphore(%run_scoped3A : memref<!tpu.dma_semaphore, #tpu.memory_space<semaphore_mem>>) src(%dma_wait3A_144 : memref<16x80xi32, #tpu.memory_space<hbm>>) dst(%dma_wait3A_142 : memref<16x80xi32, #tpu.memory_space<vmem>>)
        tpu.yield
      }) : () -> ()
      "tpu.region"() ({
        %run_scoped3A = tpu.sem_alloc : memref<!tpu.dma_semaphore, #tpu.memory_space<semaphore_mem>>
        %dma_start3A = arith.constant 0 : i32
        %dma_start3A_127 = arith.constant 0 : i32
        %dma_start3A_128 = tpu.memref_slice %arg7[%dma_start3A, %dma_start3A_127] : memref<128x80xi32, #tpu.memory_space<vmem>> -> memref<16x80xi32, #tpu.memory_space<vmem>>
        %dma_start3A_129 = arith.constant 0 : i32
        %dma_start3A_130 = tpu.memref_slice %arg4[%select_n3A, %dma_start3A_129] : memref<4096x80xi32, #tpu.memory_space<hbm>> -> memref<16x80xi32, #tpu.memory_space<hbm>>
        %dma_start3A_131 = arith.constant 0 : i32
        %dma_start3A_132 = arith.constant 0 : i32
        %dma_start3A_133 = tpu.memref_slice %arg7[%dma_start3A_131, %dma_start3A_132] : memref<128x80xi32, #tpu.memory_space<vmem>> -> memref<16x80xi32, #tpu.memory_space<vmem>>
        %dma_start3A_134 = arith.constant 0 : i32
        %dma_start3A_135 = tpu.memref_slice %arg4[%select_n3A, %dma_start3A_134] : memref<4096x80xi32, #tpu.memory_space<hbm>> -> memref<16x80xi32, #tpu.memory_space<hbm>>
        tpu.enqueue_dma source(%dma_start3A_135 : memref<16x80xi32, #tpu.memory_space<hbm>>) target(%dma_start3A_133 : memref<16x80xi32, #tpu.memory_space<vmem>>) target_semaphore(%run_scoped3A : memref<!tpu.dma_semaphore, #tpu.memory_space<semaphore_mem>>)
        %dma_wait3A = arith.constant 0 : i32
        %dma_wait3A_136 = arith.constant 0 : i32
        %dma_wait3A_137 = tpu.memref_slice %arg7[%dma_wait3A, %dma_wait3A_136] : memref<128x80xi32, #tpu.memory_space<vmem>> -> memref<16x80xi32, #tpu.memory_space<vmem>>
        %dma_wait3A_138 = arith.constant 0 : i32
        %dma_wait3A_139 = tpu.memref_slice %arg4[%select_n3A, %dma_wait3A_138] : memref<4096x80xi32, #tpu.memory_space<hbm>> -> memref<16x80xi32, #tpu.memory_space<hbm>>
        %dma_wait3A_140 = arith.constant 0 : i32
        %dma_wait3A_141 = arith.constant 0 : i32
        %dma_wait3A_142 = tpu.memref_slice %arg7[%dma_wait3A_140, %dma_wait3A_141] : memref<128x80xi32, #tpu.memory_space<vmem>> -> memref<16x80xi32, #tpu.memory_space<vmem>>
        %dma_wait3A_143 = arith.constant 0 : i32
        %dma_wait3A_144 = tpu.memref_slice %arg4[%select_n3A, %dma_wait3A_143] : memref<4096x80xi32, #tpu.memory_space<hbm>> -> memref<16x80xi32, #tpu.memory_space<hbm>>
        tpu.wait_dma2 semaphore(%run_scoped3A : memref<!tpu.dma_semaphore, #tpu.memory_space<semaphore_mem>>) src(%dma_wait3A_144 : memref<16x80xi32, #tpu.memory_space<hbm>>) dst(%dma_wait3A_142 : memref<16x80xi32, #tpu.memory_space<vmem>>)
        tpu.yield
      }) : () -> ()
    } else {
    }
    %jit3A = arith.constant 128 : i32
    %jit3A_49 = arith.constant 16 : i32
    %select_n3A_50 = arith.select %eq3A_37, %jit3A, %jit3A_49 : i32
    %jit3A_51 = arith.constant 2 : i32
    %div3A = arith.divsi %select_n3A_50, %jit3A_51 : i32
    %sign3A = arith.constant 0 : i32
    %sign3A_52 = arith.cmpi sgt, %select_n3A_50, %sign3A : i32
    %sign3A_53 = arith.extui %sign3A_52 : i1 to i32
    %sign3A_54 = arith.constant 0 : i32
    %sign3A_55 = arith.cmpi slt, %select_n3A_50, %sign3A_54 : i32
    %sign3A_56 = arith.extui %sign3A_55 : i1 to i32
    %sign3A_57 = arith.subi %sign3A_53, %sign3A_56 : i32
    %sign3A_58 = arith.constant 0 : i32
    %sign3A_59 = arith.cmpi sgt, %jit3A_51, %sign3A_58 : i32
    %sign3A_60 = arith.extui %sign3A_59 : i1 to i32
    %sign3A_61 = arith.constant 0 : i32
    %sign3A_62 = arith.cmpi slt, %jit3A_51, %sign3A_61 : i32
    %sign3A_63 = arith.extui %sign3A_62 : i1 to i32
    %sign3A_64 = arith.subi %sign3A_60, %sign3A_63 : i32
    %ne3A = arith.cmpi ne, %sign3A_57, %sign3A_64 : i32
    %rem3A = arith.remsi %select_n3A_50, %jit3A_51 : i32
    %ne3A_65 = arith.constant 0 : i32
    %ne3A_66 = arith.cmpi ne, %rem3A, %ne3A_65 : i32
    %and3A = arith.andi %ne3A, %ne3A_66 : i1
    %sub3A = arith.constant 1 : i32
    %sub3A_67 = arith.subi %div3A, %sub3A : i32
    %select_n3A_68 = arith.select %and3A, %sub3A_67, %div3A : i32
    %while3A = arith.constant 0 : i32
    %while3A_69 = arith.constant 0 : i32
    %while3A_70 = arith.subi %select_n3A_68, %while3A : i32
    %while3A_71 = arith.addi %while3A, %while3A_70 : i32
    %while3A_72 = arith.constant 1 : i32
    %while3A_73 = arith.divsi %while3A_70, %while3A_72 : i32
    %while3A_74 = arith.muli %while3A_73, %while3A_72 : i32
    %while3A_75 = arith.addi %while3A, %while3A_74 : i32
    %while3A_76 = arith.constant 1 : i32
    %while3A_77 = scf.for %while3A_127 = %while3A to %while3A_75 step %while3A_76 iter_args(%while3A_128 = %while3A_69) -> (i32)  : i32 {
      %mul3A_129 = arith.constant 2 : i32
      %mul3A_130 = arith.muli %while3A_127, %mul3A_129 : i32
      %add3A_131 = arith.constant 0 : i32
      %add3A_132 = arith.addi %mul3A_130, %add3A_131 : i32
      %dma_start3A = arith.constant 0 : i32
      %dma_start3A_133 = tpu.memref_slice %arg6[%add3A_132, %dma_start3A] : memref<128x80xi32, #tpu.memory_space<vmem>> -> memref<1x80xi32, #tpu.memory_space<vmem>>
      %dma_start3A_134 = tpu.memref_squeeze %dma_start3A_133 : memref<1x80xi32, #tpu.memory_space<vmem>> -> memref<80xi32, #tpu.memory_space<vmem>>
      %dma_start3A_135 = arith.constant 0 : i32
      %dma_start3A_136 = arith.constant 0 : i32
      %dma_start3A_137 = tpu.memref_slice %arg2[%dma_start3A_135, %dma_start3A_136] : memref<10000x128xf32, #tpu.memory_space<hbm>> -> memref<10000x128xf32, #tpu.memory_space<hbm>>
      tpu.enqueue_indirect_dma source(%dma_start3A_137 : memref<10000x128xf32, #tpu.memory_space<hbm>>) target(%arg8 : memref<80x128xf32, #tpu.memory_space<vmem>>) offsets(%dma_start3A_134 : memref<80xi32, #tpu.memory_space<vmem>>) semaphore(%arg10 : memref<!tpu.dma_semaphore, #tpu.memory_space<semaphore_mem>>)
      %mul3A_138 = arith.constant 2 : i32
      %mul3A_139 = arith.muli %while3A_127, %mul3A_138 : i32
      %add3A_140 = arith.constant 1 : i32
      %add3A_141 = arith.addi %mul3A_139, %add3A_140 : i32
      %dma_start3A_142 = arith.constant 0 : i32
      %dma_start3A_143 = tpu.memref_slice %arg6[%add3A_141, %dma_start3A_142] : memref<128x80xi32, #tpu.memory_space<vmem>> -> memref<1x80xi32, #tpu.memory_space<vmem>>
      %dma_start3A_144 = tpu.memref_squeeze %dma_start3A_143 : memref<1x80xi32, #tpu.memory_space<vmem>> -> memref<80xi32, #tpu.memory_space<vmem>>
      %dma_start3A_145 = arith.constant 0 : i32
      %dma_start3A_146 = arith.constant 0 : i32
      %dma_start3A_147 = tpu.memref_slice %arg2[%dma_start3A_145, %dma_start3A_146] : memref<10000x128xf32, #tpu.memory_space<hbm>> -> memref<10000x128xf32, #tpu.memory_space<hbm>>
      tpu.enqueue_indirect_dma source(%dma_start3A_147 : memref<10000x128xf32, #tpu.memory_space<hbm>>) target(%arg9 : memref<80x128xf32, #tpu.memory_space<vmem>>) offsets(%dma_start3A_144 : memref<80xi32, #tpu.memory_space<vmem>>) semaphore(%arg11 : memref<!tpu.dma_semaphore, #tpu.memory_space<semaphore_mem>>)
      %dma_wait3A = arith.constant 0 : i32
      %dma_wait3A_148 = tpu.memref_slice %arg6[%add3A_132, %dma_wait3A] : memref<128x80xi32, #tpu.memory_space<vmem>> -> memref<1x80xi32, #tpu.memory_space<vmem>>
      %dma_wait3A_149 = tpu.memref_squeeze %dma_wait3A_148 : memref<1x80xi32, #tpu.memory_space<vmem>> -> memref<80xi32, #tpu.memory_space<vmem>>
      %dma_wait3A_150 = arith.constant 0 : i32
      %dma_wait3A_151 = arith.constant 0 : i32
      %dma_wait3A_152 = tpu.memref_slice %arg2[%dma_wait3A_150, %dma_wait3A_151] : memref<10000x128xf32, #tpu.memory_space<hbm>> -> memref<10000x128xf32, #tpu.memory_space<hbm>>
      tpu.wait_indirect_dma semaphore(%arg10 : memref<!tpu.dma_semaphore, #tpu.memory_space<semaphore_mem>>) src(%dma_wait3A_152 : memref<10000x128xf32, #tpu.memory_space<hbm>>) dst(%arg8 : memref<80x128xf32, #tpu.memory_space<vmem>>)
      %mul3A_153 = arith.constant 2 : i32
      %mul3A_154 = arith.muli %while3A_127, %mul3A_153 : i32
      %add3A_155 = arith.constant 0 : i32
      %add3A_156 = arith.addi %mul3A_154, %add3A_155 : i32
      "tpu.region"() ({
        %run_scoped3A = tpu.sem_alloc : memref<!tpu.dma_semaphore, #tpu.memory_space<semaphore_mem>>
        %dma_start3A_168 = arith.constant 0 : i32
        %dma_start3A_169 = tpu.memref_slice %arg7[%add3A_156, %dma_start3A_168] : memref<128x80xi32, #tpu.memory_space<vmem>> -> memref<1x80xi32, #tpu.memory_space<vmem>>
        %dma_start3A_170 = tpu.memref_squeeze %dma_start3A_169 : memref<1x80xi32, #tpu.memory_space<vmem>> -> memref<80xi32, #tpu.memory_space<vmem>>
        %dma_start3A_171 = arith.constant 0 : i32
        %dma_start3A_172 = arith.constant 0 : i32
        %dma_start3A_173 = tpu.memref_slice %arg12[%dma_start3A_171, %dma_start3A_172] : memref<10112x128xf32, #tpu.memory_space<vmem_shared>> -> memref<10112x128xf32, #tpu.memory_space<vmem_shared>>
        tpu.enqueue_indirect_dma source(%arg8 : memref<80x128xf32, #tpu.memory_space<vmem>>) target(%dma_start3A_173 : memref<10112x128xf32, #tpu.memory_space<vmem_shared>>) offsets(%dma_start3A_170 : memref<80xi32, #tpu.memory_space<vmem>>) semaphore(%run_scoped3A : memref<!tpu.dma_semaphore, #tpu.memory_space<semaphore_mem>>) {add = true}
        %dma_wait3A_174 = arith.constant 0 : i32
        %dma_wait3A_175 = tpu.memref_slice %arg7[%add3A_156, %dma_wait3A_174] : memref<128x80xi32, #tpu.memory_space<vmem>> -> memref<1x80xi32, #tpu.memory_space<vmem>>
        %dma_wait3A_176 = tpu.memref_squeeze %dma_wait3A_175 : memref<1x80xi32, #tpu.memory_space<vmem>> -> memref<80xi32, #tpu.memory_space<vmem>>
        %dma_wait3A_177 = arith.constant 0 : i32
        %dma_wait3A_178 = arith.constant 0 : i32
        %dma_wait3A_179 = tpu.memref_slice %arg12[%dma_wait3A_177, %dma_wait3A_178] : memref<10112x128xf32, #tpu.memory_space<vmem_shared>> -> memref<10112x128xf32, #tpu.memory_space<vmem_shared>>
        tpu.wait_indirect_dma semaphore(%run_scoped3A : memref<!tpu.dma_semaphore, #tpu.memory_space<semaphore_mem>>) src(%arg8 : memref<80x128xf32, #tpu.memory_space<vmem>>) dst(%dma_wait3A_179 : memref<10112x128xf32, #tpu.memory_space<vmem_shared>>)
        tpu.yield
      }) : () -> ()
      %dma_wait3A_157 = arith.constant 0 : i32
      %dma_wait3A_158 = tpu.memref_slice %arg6[%add3A_141, %dma_wait3A_157] : memref<128x80xi32, #tpu.memory_space<vmem>> -> memref<1x80xi32, #tpu.memory_space<vmem>>
      %dma_wait3A_159 = tpu.memref_squeeze %dma_wait3A_158 : memref<1x80xi32, #tpu.memory_space<vmem>> -> memref<80xi32, #tpu.memory_space<vmem>>
      %dma_wait3A_160 = arith.constant 0 : i32
      %dma_wait3A_161 = arith.constant 0 : i32
      %dma_wait3A_162 = tpu.memref_slice %arg2[%dma_wait3A_160, %dma_wait3A_161] : memref<10000x128xf32, #tpu.memory_space<hbm>> -> memref<10000x128xf32, #tpu.memory_space<hbm>>
      tpu.wait_indirect_dma semaphore(%arg11 : memref<!tpu.dma_semaphore, #tpu.memory_space<semaphore_mem>>) src(%dma_wait3A_162 : memref<10000x128xf32, #tpu.memory_space<hbm>>) dst(%arg9 : memref<80x128xf32, #tpu.memory_space<vmem>>)
      %mul3A_163 = arith.constant 2 : i32
      %mul3A_164 = arith.muli %while3A_127, %mul3A_163 : i32
      %add3A_165 = arith.constant 1 : i32
      %add3A_166 = arith.addi %mul3A_164, %add3A_165 : i32
      "tpu.region"() ({
        %run_scoped3A = tpu.sem_alloc : memref<!tpu.dma_semaphore, #tpu.memory_space<semaphore_mem>>
        %dma_start3A_168 = arith.constant 0 : i32
        %dma_start3A_169 = tpu.memref_slice %arg7[%add3A_166, %dma_start3A_168] : memref<128x80xi32, #tpu.memory_space<vmem>> -> memref<1x80xi32, #tpu.memory_space<vmem>>
        %dma_start3A_170 = tpu.memref_squeeze %dma_start3A_169 : memref<1x80xi32, #tpu.memory_space<vmem>> -> memref<80xi32, #tpu.memory_space<vmem>>
        %dma_start3A_171 = arith.constant 0 : i32
        %dma_start3A_172 = arith.constant 0 : i32
        %dma_start3A_173 = tpu.memref_slice %arg12[%dma_start3A_171, %dma_start3A_172] : memref<10112x128xf32, #tpu.memory_space<vmem_shared>> -> memref<10112x128xf32, #tpu.memory_space<vmem_shared>>
        tpu.enqueue_indirect_dma source(%arg9 : memref<80x128xf32, #tpu.memory_space<vmem>>) target(%dma_start3A_173 : memref<10112x128xf32, #tpu.memory_space<vmem_shared>>) offsets(%dma_start3A_170 : memref<80xi32, #tpu.memory_space<vmem>>) semaphore(%run_scoped3A : memref<!tpu.dma_semaphore, #tpu.memory_space<semaphore_mem>>) {add = true}
        %dma_wait3A_174 = arith.constant 0 : i32
        %dma_wait3A_175 = tpu.memref_slice %arg7[%add3A_166, %dma_wait3A_174] : memref<128x80xi32, #tpu.memory_space<vmem>> -> memref<1x80xi32, #tpu.memory_space<vmem>>
        %dma_wait3A_176 = tpu.memref_squeeze %dma_wait3A_175 : memref<1x80xi32, #tpu.memory_space<vmem>> -> memref<80xi32, #tpu.memory_space<vmem>>
        %dma_wait3A_177 = arith.constant 0 : i32
        %dma_wait3A_178 = arith.constant 0 : i32
        %dma_wait3A_179 = tpu.memref_slice %arg12[%dma_wait3A_177, %dma_wait3A_178] : memref<10112x128xf32, #tpu.memory_space<vmem_shared>> -> memref<10112x128xf32, #tpu.memory_space<vmem_shared>>
        tpu.wait_indirect_dma semaphore(%run_scoped3A : memref<!tpu.dma_semaphore, #tpu.memory_space<semaphore_mem>>) src(%arg9 : memref<80x128xf32, #tpu.memory_space<vmem>>) dst(%dma_wait3A_179 : memref<10112x128xf32, #tpu.memory_space<vmem_shared>>)
        tpu.yield
      }) : () -> ()
      %while3A_167 = arith.constant 0 : i32
      scf.yield %while3A_167 : i32
    }
    %while3A_78 = arith.constant 1 : i32
    %while3A_79 = scf.for %while3A_127 = %while3A_75 to %while3A_71 step %while3A_78 iter_args(%while3A_128 = %while3A_77) -> (i32)  : i32 {
      %mul3A_129 = arith.constant 2 : i32
      %mul3A_130 = arith.muli %while3A_127, %mul3A_129 : i32
      %add3A_131 = arith.constant 0 : i32
      %add3A_132 = arith.addi %mul3A_130, %add3A_131 : i32
      %dma_start3A = arith.constant 0 : i32
      %dma_start3A_133 = tpu.memref_slice %arg6[%add3A_132, %dma_start3A] : memref<128x80xi32, #tpu.memory_space<vmem>> -> memref<1x80xi32, #tpu.memory_space<vmem>>
      %dma_start3A_134 = tpu.memref_squeeze %dma_start3A_133 : memref<1x80xi32, #tpu.memory_space<vmem>> -> memref<80xi32, #tpu.memory_space<vmem>>
      %dma_start3A_135 = arith.constant 0 : i32
      %dma_start3A_136 = arith.constant 0 : i32
      %dma_start3A_137 = tpu.memref_slice %arg2[%dma_start3A_135, %dma_start3A_136] : memref<10000x128xf32, #tpu.memory_space<hbm>> -> memref<10000x128xf32, #tpu.memory_space<hbm>>
      tpu.enqueue_indirect_dma source(%dma_start3A_137 : memref<10000x128xf32, #tpu.memory_space<hbm>>) target(%arg8 : memref<80x128xf32, #tpu.memory_space<vmem>>) offsets(%dma_start3A_134 : memref<80xi32, #tpu.memory_space<vmem>>) semaphore(%arg10 : memref<!tpu.dma_semaphore, #tpu.memory_space<semaphore_mem>>)
      %mul3A_138 = arith.constant 2 : i32
      %mul3A_139 = arith.muli %while3A_127, %mul3A_138 : i32
      %add3A_140 = arith.constant 1 : i32
      %add3A_141 = arith.addi %mul3A_139, %add3A_140 : i32
      %dma_start3A_142 = arith.constant 0 : i32
      %dma_start3A_143 = tpu.memref_slice %arg6[%add3A_141, %dma_start3A_142] : memref<128x80xi32, #tpu.memory_space<vmem>> -> memref<1x80xi32, #tpu.memory_space<vmem>>
      %dma_start3A_144 = tpu.memref_squeeze %dma_start3A_143 : memref<1x80xi32, #tpu.memory_space<vmem>> -> memref<80xi32, #tpu.memory_space<vmem>>
      %dma_start3A_145 = arith.constant 0 : i32
      %dma_start3A_146 = arith.constant 0 : i32
      %dma_start3A_147 = tpu.memref_slice %arg2[%dma_start3A_145, %dma_start3A_146] : memref<10000x128xf32, #tpu.memory_space<hbm>> -> memref<10000x128xf32, #tpu.memory_space<hbm>>
      tpu.enqueue_indirect_dma source(%dma_start3A_147 : memref<10000x128xf32, #tpu.memory_space<hbm>>) target(%arg9 : memref<80x128xf32, #tpu.memory_space<vmem>>) offsets(%dma_start3A_144 : memref<80xi32, #tpu.memory_space<vmem>>) semaphore(%arg11 : memref<!tpu.dma_semaphore, #tpu.memory_space<semaphore_mem>>)
      %dma_wait3A = arith.constant 0 : i32
      %dma_wait3A_148 = tpu.memref_slice %arg6[%add3A_132, %dma_wait3A] : memref<128x80xi32, #tpu.memory_space<vmem>> -> memref<1x80xi32, #tpu.memory_space<vmem>>
      %dma_wait3A_149 = tpu.memref_squeeze %dma_wait3A_148 : memref<1x80xi32, #tpu.memory_space<vmem>> -> memref<80xi32, #tpu.memory_space<vmem>>
      %dma_wait3A_150 = arith.constant 0 : i32
      %dma_wait3A_151 = arith.constant 0 : i32
      %dma_wait3A_152 = tpu.memref_slice %arg2[%dma_wait3A_150, %dma_wait3A_151] : memref<10000x128xf32, #tpu.memory_space<hbm>> -> memref<10000x128xf32, #tpu.memory_space<hbm>>
      tpu.wait_indirect_dma semaphore(%arg10 : memref<!tpu.dma_semaphore, #tpu.memory_space<semaphore_mem>>) src(%dma_wait3A_152 : memref<10000x128xf32, #tpu.memory_space<hbm>>) dst(%arg8 : memref<80x128xf32, #tpu.memory_space<vmem>>)
      %mul3A_153 = arith.constant 2 : i32
      %mul3A_154 = arith.muli %while3A_127, %mul3A_153 : i32
      %add3A_155 = arith.constant 0 : i32
      %add3A_156 = arith.addi %mul3A_154, %add3A_155 : i32
      "tpu.region"() ({
        %run_scoped3A = tpu.sem_alloc : memref<!tpu.dma_semaphore, #tpu.memory_space<semaphore_mem>>
        %dma_start3A_168 = arith.constant 0 : i32
        %dma_start3A_169 = tpu.memref_slice %arg7[%add3A_156, %dma_start3A_168] : memref<128x80xi32, #tpu.memory_space<vmem>> -> memref<1x80xi32, #tpu.memory_space<vmem>>
        %dma_start3A_170 = tpu.memref_squeeze %dma_start3A_169 : memref<1x80xi32, #tpu.memory_space<vmem>> -> memref<80xi32, #tpu.memory_space<vmem>>
        %dma_start3A_171 = arith.constant 0 : i32
        %dma_start3A_172 = arith.constant 0 : i32
        %dma_start3A_173 = tpu.memref_slice %arg12[%dma_start3A_171, %dma_start3A_172] : memref<10112x128xf32, #tpu.memory_space<vmem_shared>> -> memref<10112x128xf32, #tpu.memory_space<vmem_shared>>
        tpu.enqueue_indirect_dma source(%arg8 : memref<80x128xf32, #tpu.memory_space<vmem>>) target(%dma_start3A_173 : memref<10112x128xf32, #tpu.memory_space<vmem_shared>>) offsets(%dma_start3A_170 : memref<80xi32, #tpu.memory_space<vmem>>) semaphore(%run_scoped3A : memref<!tpu.dma_semaphore, #tpu.memory_space<semaphore_mem>>) {add = true}
        %dma_wait3A_174 = arith.constant 0 : i32
        %dma_wait3A_175 = tpu.memref_slice %arg7[%add3A_156, %dma_wait3A_174] : memref<128x80xi32, #tpu.memory_space<vmem>> -> memref<1x80xi32, #tpu.memory_space<vmem>>
        %dma_wait3A_176 = tpu.memref_squeeze %dma_wait3A_175 : memref<1x80xi32, #tpu.memory_space<vmem>> -> memref<80xi32, #tpu.memory_space<vmem>>
        %dma_wait3A_177 = arith.constant 0 : i32
        %dma_wait3A_178 = arith.constant 0 : i32
        %dma_wait3A_179 = tpu.memref_slice %arg12[%dma_wait3A_177, %dma_wait3A_178] : memref<10112x128xf32, #tpu.memory_space<vmem_shared>> -> memref<10112x128xf32, #tpu.memory_space<vmem_shared>>
        tpu.wait_indirect_dma semaphore(%run_scoped3A : memref<!tpu.dma_semaphore, #tpu.memory_space<semaphore_mem>>) src(%arg8 : memref<80x128xf32, #tpu.memory_space<vmem>>) dst(%dma_wait3A_179 : memref<10112x128xf32, #tpu.memory_space<vmem_shared>>)
        tpu.yield
      }) : () -> ()
      %dma_wait3A_157 = arith.constant 0 : i32
      %dma_wait3A_158 = tpu.memref_slice %arg6[%add3A_141, %dma_wait3A_157] : memref<128x80xi32, #tpu.memory_space<vmem>> -> memref<1x80xi32, #tpu.memory_space<vmem>>
      %dma_wait3A_159 = tpu.memref_squeeze %dma_wait3A_158 : memref<1x80xi32, #tpu.memory_space<vmem>> -> memref<80xi32, #tpu.memory_space<vmem>>
      %dma_wait3A_160 = arith.constant 0 : i32
      %dma_wait3A_161 = arith.constant 0 : i32
      %dma_wait3A_162 = tpu.memref_slice %arg2[%dma_wait3A_160, %dma_wait3A_161] : memref<10000x128xf32, #tpu.memory_space<hbm>> -> memref<10000x128xf32, #tpu.memory_space<hbm>>
      tpu.wait_indirect_dma semaphore(%arg11 : memref<!tpu.dma_semaphore, #tpu.memory_space<semaphore_mem>>) src(%dma_wait3A_162 : memref<10000x128xf32, #tpu.memory_space<hbm>>) dst(%arg9 : memref<80x128xf32, #tpu.memory_space<vmem>>)
      %mul3A_163 = arith.constant 2 : i32
      %mul3A_164 = arith.muli %while3A_127, %mul3A_163 : i32
      %add3A_165 = arith.constant 1 : i32
      %add3A_166 = arith.addi %mul3A_164, %add3A_165 : i32
      "tpu.region"() ({
        %run_scoped3A = tpu.sem_alloc : memref<!tpu.dma_semaphore, #tpu.memory_space<semaphore_mem>>
        %dma_start3A_168 = arith.constant 0 : i32
        %dma_start3A_169 = tpu.memref_slice %arg7[%add3A_166, %dma_start3A_168] : memref<128x80xi32, #tpu.memory_space<vmem>> -> memref<1x80xi32, #tpu.memory_space<vmem>>
        %dma_start3A_170 = tpu.memref_squeeze %dma_start3A_169 : memref<1x80xi32, #tpu.memory_space<vmem>> -> memref<80xi32, #tpu.memory_space<vmem>>
        %dma_start3A_171 = arith.constant 0 : i32
        %dma_start3A_172 = arith.constant 0 : i32
        %dma_start3A_173 = tpu.memref_slice %arg12[%dma_start3A_171, %dma_start3A_172] : memref<10112x128xf32, #tpu.memory_space<vmem_shared>> -> memref<10112x128xf32, #tpu.memory_space<vmem_shared>>
        tpu.enqueue_indirect_dma source(%arg9 : memref<80x128xf32, #tpu.memory_space<vmem>>) target(%dma_start3A_173 : memref<10112x128xf32, #tpu.memory_space<vmem_shared>>) offsets(%dma_start3A_170 : memref<80xi32, #tpu.memory_space<vmem>>) semaphore(%run_scoped3A : memref<!tpu.dma_semaphore, #tpu.memory_space<semaphore_mem>>) {add = true}
        %dma_wait3A_174 = arith.constant 0 : i32
        %dma_wait3A_175 = tpu.memref_slice %arg7[%add3A_166, %dma_wait3A_174] : memref<128x80xi32, #tpu.memory_space<vmem>> -> memref<1x80xi32, #tpu.memory_space<vmem>>
        %dma_wait3A_176 = tpu.memref_squeeze %dma_wait3A_175 : memref<1x80xi32, #tpu.memory_space<vmem>> -> memref<80xi32, #tpu.memory_space<vmem>>
        %dma_wait3A_177 = arith.constant 0 : i32
        %dma_wait3A_178 = arith.constant 0 : i32
        %dma_wait3A_179 = tpu.memref_slice %arg12[%dma_wait3A_177, %dma_wait3A_178] : memref<10112x128xf32, #tpu.memory_space<vmem_shared>> -> memref<10112x128xf32, #tpu.memory_space<vmem_shared>>
        tpu.wait_indirect_dma semaphore(%run_scoped3A : memref<!tpu.dma_semaphore, #tpu.memory_space<semaphore_mem>>) src(%arg9 : memref<80x128xf32, #tpu.memory_space<vmem>>) dst(%dma_wait3A_179 : memref<10112x128xf32, #tpu.memory_space<vmem_shared>>)
        tpu.yield
      }) : () -> ()
      %while3A_167 = arith.constant 0 : i32
      scf.yield %while3A_167 : i32
    }
    %convert_element_type3A_80 = arith.extui %eq3A_37 : i1 to i32
    %cond3A_81 = arith.constant 0 : i32
    %cond3A_82 = arith.cmpi ne, %convert_element_type3A_80, %cond3A_81 : i32
    scf.if %cond3A_82 {
      %mul3A_127 = arith.constant 240 : i32
      %mul3A_128 = arith.muli %arg1, %mul3A_127 : i32
      %add3A_129 = arith.constant 128 : i32
      %add3A_130 = arith.addi %mul3A_128, %add3A_129 : i32
      "tpu.region"() ({
        %run_scoped3A = tpu.sem_alloc : memref<!tpu.dma_semaphore, #tpu.memory_space<semaphore_mem>>
        %dma_start3A = arith.constant 0 : i32
        %dma_start3A_131 = arith.constant 0 : i32
        %dma_start3A_132 = tpu.memref_slice %arg6[%dma_start3A, %dma_start3A_131] : memref<128x80xi32, #tpu.memory_space<vmem>> -> memref<112x80xi32, #tpu.memory_space<vmem>>
        %dma_start3A_133 = arith.constant 0 : i32
        %dma_start3A_134 = tpu.memref_slice %arg3[%add3A_130, %dma_start3A_133] : memref<4096x80xi32, #tpu.memory_space<hbm>> -> memref<112x80xi32, #tpu.memory_space<hbm>>
        %dma_start3A_135 = arith.constant 0 : i32
        %dma_start3A_136 = arith.constant 0 : i32
        %dma_start3A_137 = tpu.memref_slice %arg6[%dma_start3A_135, %dma_start3A_136] : memref<128x80xi32, #tpu.memory_space<vmem>> -> memref<112x80xi32, #tpu.memory_space<vmem>>
        %dma_start3A_138 = arith.constant 0 : i32
        %dma_start3A_139 = tpu.memref_slice %arg3[%add3A_130, %dma_start3A_138] : memref<4096x80xi32, #tpu.memory_space<hbm>> -> memref<112x80xi32, #tpu.memory_space<hbm>>
        tpu.enqueue_dma source(%dma_start3A_139 : memref<112x80xi32, #tpu.memory_space<hbm>>) target(%dma_start3A_137 : memref<112x80xi32, #tpu.memory_space<vmem>>) target_semaphore(%run_scoped3A : memref<!tpu.dma_semaphore, #tpu.memory_space<semaphore_mem>>)
        %dma_wait3A = arith.constant 0 : i32
        %dma_wait3A_140 = arith.constant 0 : i32
        %dma_wait3A_141 = tpu.memref_slice %arg6[%dma_wait3A, %dma_wait3A_140] : memref<128x80xi32, #tpu.memory_space<vmem>> -> memref<112x80xi32, #tpu.memory_space<vmem>>
        %dma_wait3A_142 = arith.constant 0 : i32
        %dma_wait3A_143 = tpu.memref_slice %arg3[%add3A_130, %dma_wait3A_142] : memref<4096x80xi32, #tpu.memory_space<hbm>> -> memref<112x80xi32, #tpu.memory_space<hbm>>
        %dma_wait3A_144 = arith.constant 0 : i32
        %dma_wait3A_145 = arith.constant 0 : i32
        %dma_wait3A_146 = tpu.memref_slice %arg6[%dma_wait3A_144, %dma_wait3A_145] : memref<128x80xi32, #tpu.memory_space<vmem>> -> memref<112x80xi32, #tpu.memory_space<vmem>>
        %dma_wait3A_147 = arith.constant 0 : i32
        %dma_wait3A_148 = tpu.memref_slice %arg3[%add3A_130, %dma_wait3A_147] : memref<4096x80xi32, #tpu.memory_space<hbm>> -> memref<112x80xi32, #tpu.memory_space<hbm>>
        tpu.wait_dma2 semaphore(%run_scoped3A : memref<!tpu.dma_semaphore, #tpu.memory_space<semaphore_mem>>) src(%dma_wait3A_148 : memref<112x80xi32, #tpu.memory_space<hbm>>) dst(%dma_wait3A_146 : memref<112x80xi32, #tpu.memory_space<vmem>>)
        tpu.yield
      }) : () -> ()
      "tpu.region"() ({
        %run_scoped3A = tpu.sem_alloc : memref<!tpu.dma_semaphore, #tpu.memory_space<semaphore_mem>>
        %dma_start3A = arith.constant 0 : i32
        %dma_start3A_131 = arith.constant 0 : i32
        %dma_start3A_132 = tpu.memref_slice %arg7[%dma_start3A, %dma_start3A_131] : memref<128x80xi32, #tpu.memory_space<vmem>> -> memref<112x80xi32, #tpu.memory_space<vmem>>
        %dma_start3A_133 = arith.constant 0 : i32
        %dma_start3A_134 = tpu.memref_slice %arg4[%add3A_130, %dma_start3A_133] : memref<4096x80xi32, #tpu.memory_space<hbm>> -> memref<112x80xi32, #tpu.memory_space<hbm>>
        %dma_start3A_135 = arith.constant 0 : i32
        %dma_start3A_136 = arith.constant 0 : i32
        %dma_start3A_137 = tpu.memref_slice %arg7[%dma_start3A_135, %dma_start3A_136] : memref<128x80xi32, #tpu.memory_space<vmem>> -> memref<112x80xi32, #tpu.memory_space<vmem>>
        %dma_start3A_138 = arith.constant 0 : i32
        %dma_start3A_139 = tpu.memref_slice %arg4[%add3A_130, %dma_start3A_138] : memref<4096x80xi32, #tpu.memory_space<hbm>> -> memref<112x80xi32, #tpu.memory_space<hbm>>
        tpu.enqueue_dma source(%dma_start3A_139 : memref<112x80xi32, #tpu.memory_space<hbm>>) target(%dma_start3A_137 : memref<112x80xi32, #tpu.memory_space<vmem>>) target_semaphore(%run_scoped3A : memref<!tpu.dma_semaphore, #tpu.memory_space<semaphore_mem>>)
        %dma_wait3A = arith.constant 0 : i32
        %dma_wait3A_140 = arith.constant 0 : i32
        %dma_wait3A_141 = tpu.memref_slice %arg7[%dma_wait3A, %dma_wait3A_140] : memref<128x80xi32, #tpu.memory_space<vmem>> -> memref<112x80xi32, #tpu.memory_space<vmem>>
        %dma_wait3A_142 = arith.constant 0 : i32
        %dma_wait3A_143 = tpu.memref_slice %arg4[%add3A_130, %dma_wait3A_142] : memref<4096x80xi32, #tpu.memory_space<hbm>> -> memref<112x80xi32, #tpu.memory_space<hbm>>
        %dma_wait3A_144 = arith.constant 0 : i32
        %dma_wait3A_145 = arith.constant 0 : i32
        %dma_wait3A_146 = tpu.memref_slice %arg7[%dma_wait3A_144, %dma_wait3A_145] : memref<128x80xi32, #tpu.memory_space<vmem>> -> memref<112x80xi32, #tpu.memory_space<vmem>>
        %dma_wait3A_147 = arith.constant 0 : i32
        %dma_wait3A_148 = tpu.memref_slice %arg4[%add3A_130, %dma_wait3A_147] : memref<4096x80xi32, #tpu.memory_space<hbm>> -> memref<112x80xi32, #tpu.memory_space<hbm>>
        tpu.wait_dma2 semaphore(%run_scoped3A : memref<!tpu.dma_semaphore, #tpu.memory_space<semaphore_mem>>) src(%dma_wait3A_148 : memref<112x80xi32, #tpu.memory_space<hbm>>) dst(%dma_wait3A_146 : memref<112x80xi32, #tpu.memory_space<vmem>>)
        tpu.yield
      }) : () -> ()
    } else {
    }
    %jit3A_83 = arith.constant 112 : i32
    %jit3A_84 = arith.constant 0 : i32
    %select_n3A_85 = arith.select %eq3A_37, %jit3A_83, %jit3A_84 : i32
    %jit3A_86 = arith.constant 2 : i32
    %div3A_87 = arith.divsi %select_n3A_85, %jit3A_86 : i32
    %sign3A_88 = arith.constant 0 : i32
    %sign3A_89 = arith.cmpi sgt, %select_n3A_85, %sign3A_88 : i32
    %sign3A_90 = arith.extui %sign3A_89 : i1 to i32
    %sign3A_91 = arith.constant 0 : i32
    %sign3A_92 = arith.cmpi slt, %select_n3A_85, %sign3A_91 : i32
    %sign3A_93 = arith.extui %sign3A_92 : i1 to i32
    %sign3A_94 = arith.subi %sign3A_90, %sign3A_93 : i32
    %sign3A_95 = arith.constant 0 : i32
    %sign3A_96 = arith.cmpi sgt, %jit3A_86, %sign3A_95 : i32
    %sign3A_97 = arith.extui %sign3A_96 : i1 to i32
    %sign3A_98 = arith.constant 0 : i32
    %sign3A_99 = arith.cmpi slt, %jit3A_86, %sign3A_98 : i32
    %sign3A_100 = arith.extui %sign3A_99 : i1 to i32
    %sign3A_101 = arith.subi %sign3A_97, %sign3A_100 : i32
    %ne3A_102 = arith.cmpi ne, %sign3A_94, %sign3A_101 : i32
    %rem3A_103 = arith.remsi %select_n3A_85, %jit3A_86 : i32
    %ne3A_104 = arith.constant 0 : i32
    %ne3A_105 = arith.cmpi ne, %rem3A_103, %ne3A_104 : i32
    %and3A_106 = arith.andi %ne3A_102, %ne3A_105 : i1
    %sub3A_107 = arith.constant 1 : i32
    %sub3A_108 = arith.subi %div3A_87, %sub3A_107 : i32
    %select_n3A_109 = arith.select %and3A_106, %sub3A_108, %div3A_87 : i32
    %while3A_110 = arith.constant 0 : i32
    %while3A_111 = arith.constant 0 : i32
    %while3A_112 = arith.subi %select_n3A_109, %while3A_110 : i32
    %while3A_113 = arith.addi %while3A_110, %while3A_112 : i32
    %while3A_114 = arith.constant 1 : i32
    %while3A_115 = arith.divsi %while3A_112, %while3A_114 : i32
    %while3A_116 = arith.muli %while3A_115, %while3A_114 : i32
    %while3A_117 = arith.addi %while3A_110, %while3A_116 : i32
    %while3A_118 = arith.constant 1 : i32
    %while3A_119 = scf.for %while3A_127 = %while3A_110 to %while3A_117 step %while3A_118 iter_args(%while3A_128 = %while3A_111) -> (i32)  : i32 {
      %mul3A_129 = arith.constant 2 : i32
      %mul3A_130 = arith.muli %while3A_127, %mul3A_129 : i32
      %add3A_131 = arith.constant 0 : i32
      %add3A_132 = arith.addi %mul3A_130, %add3A_131 : i32
      %dma_start3A = arith.constant 0 : i32
      %dma_start3A_133 = tpu.memref_slice %arg6[%add3A_132, %dma_start3A] : memref<128x80xi32, #tpu.memory_space<vmem>> -> memref<1x80xi32, #tpu.memory_space<vmem>>
      %dma_start3A_134 = tpu.memref_squeeze %dma_start3A_133 : memref<1x80xi32, #tpu.memory_space<vmem>> -> memref<80xi32, #tpu.memory_space<vmem>>
      %dma_start3A_135 = arith.constant 0 : i32
      %dma_start3A_136 = arith.constant 0 : i32
      %dma_start3A_137 = tpu.memref_slice %arg2[%dma_start3A_135, %dma_start3A_136] : memref<10000x128xf32, #tpu.memory_space<hbm>> -> memref<10000x128xf32, #tpu.memory_space<hbm>>
      tpu.enqueue_indirect_dma source(%dma_start3A_137 : memref<10000x128xf32, #tpu.memory_space<hbm>>) target(%arg8 : memref<80x128xf32, #tpu.memory_space<vmem>>) offsets(%dma_start3A_134 : memref<80xi32, #tpu.memory_space<vmem>>) semaphore(%arg10 : memref<!tpu.dma_semaphore, #tpu.memory_space<semaphore_mem>>)
      %mul3A_138 = arith.constant 2 : i32
      %mul3A_139 = arith.muli %while3A_127, %mul3A_138 : i32
      %add3A_140 = arith.constant 1 : i32
      %add3A_141 = arith.addi %mul3A_139, %add3A_140 : i32
      %dma_start3A_142 = arith.constant 0 : i32
      %dma_start3A_143 = tpu.memref_slice %arg6[%add3A_141, %dma_start3A_142] : memref<128x80xi32, #tpu.memory_space<vmem>> -> memref<1x80xi32, #tpu.memory_space<vmem>>
      %dma_start3A_144 = tpu.memref_squeeze %dma_start3A_143 : memref<1x80xi32, #tpu.memory_space<vmem>> -> memref<80xi32, #tpu.memory_space<vmem>>
      %dma_start3A_145 = arith.constant 0 : i32
      %dma_start3A_146 = arith.constant 0 : i32
      %dma_start3A_147 = tpu.memref_slice %arg2[%dma_start3A_145, %dma_start3A_146] : memref<10000x128xf32, #tpu.memory_space<hbm>> -> memref<10000x128xf32, #tpu.memory_space<hbm>>
      tpu.enqueue_indirect_dma source(%dma_start3A_147 : memref<10000x128xf32, #tpu.memory_space<hbm>>) target(%arg9 : memref<80x128xf32, #tpu.memory_space<vmem>>) offsets(%dma_start3A_144 : memref<80xi32, #tpu.memory_space<vmem>>) semaphore(%arg11 : memref<!tpu.dma_semaphore, #tpu.memory_space<semaphore_mem>>)
      %dma_wait3A = arith.constant 0 : i32
      %dma_wait3A_148 = tpu.memref_slice %arg6[%add3A_132, %dma_wait3A] : memref<128x80xi32, #tpu.memory_space<vmem>> -> memref<1x80xi32, #tpu.memory_space<vmem>>
      %dma_wait3A_149 = tpu.memref_squeeze %dma_wait3A_148 : memref<1x80xi32, #tpu.memory_space<vmem>> -> memref<80xi32, #tpu.memory_space<vmem>>
      %dma_wait3A_150 = arith.constant 0 : i32
      %dma_wait3A_151 = arith.constant 0 : i32
      %dma_wait3A_152 = tpu.memref_slice %arg2[%dma_wait3A_150, %dma_wait3A_151] : memref<10000x128xf32, #tpu.memory_space<hbm>> -> memref<10000x128xf32, #tpu.memory_space<hbm>>
      tpu.wait_indirect_dma semaphore(%arg10 : memref<!tpu.dma_semaphore, #tpu.memory_space<semaphore_mem>>) src(%dma_wait3A_152 : memref<10000x128xf32, #tpu.memory_space<hbm>>) dst(%arg8 : memref<80x128xf32, #tpu.memory_space<vmem>>)
      %mul3A_153 = arith.constant 2 : i32
      %mul3A_154 = arith.muli %while3A_127, %mul3A_153 : i32
      %add3A_155 = arith.constant 0 : i32
      %add3A_156 = arith.addi %mul3A_154, %add3A_155 : i32
      "tpu.region"() ({
        %run_scoped3A = tpu.sem_alloc : memref<!tpu.dma_semaphore, #tpu.memory_space<semaphore_mem>>
        %dma_start3A_168 = arith.constant 0 : i32
        %dma_start3A_169 = tpu.memref_slice %arg7[%add3A_156, %dma_start3A_168] : memref<128x80xi32, #tpu.memory_space<vmem>> -> memref<1x80xi32, #tpu.memory_space<vmem>>
        %dma_start3A_170 = tpu.memref_squeeze %dma_start3A_169 : memref<1x80xi32, #tpu.memory_space<vmem>> -> memref<80xi32, #tpu.memory_space<vmem>>
        %dma_start3A_171 = arith.constant 0 : i32
        %dma_start3A_172 = arith.constant 0 : i32
        %dma_start3A_173 = tpu.memref_slice %arg12[%dma_start3A_171, %dma_start3A_172] : memref<10112x128xf32, #tpu.memory_space<vmem_shared>> -> memref<10112x128xf32, #tpu.memory_space<vmem_shared>>
        tpu.enqueue_indirect_dma source(%arg8 : memref<80x128xf32, #tpu.memory_space<vmem>>) target(%dma_start3A_173 : memref<10112x128xf32, #tpu.memory_space<vmem_shared>>) offsets(%dma_start3A_170 : memref<80xi32, #tpu.memory_space<vmem>>) semaphore(%run_scoped3A : memref<!tpu.dma_semaphore, #tpu.memory_space<semaphore_mem>>) {add = true}
        %dma_wait3A_174 = arith.constant 0 : i32
        %dma_wait3A_175 = tpu.memref_slice %arg7[%add3A_156, %dma_wait3A_174] : memref<128x80xi32, #tpu.memory_space<vmem>> -> memref<1x80xi32, #tpu.memory_space<vmem>>
        %dma_wait3A_176 = tpu.memref_squeeze %dma_wait3A_175 : memref<1x80xi32, #tpu.memory_space<vmem>> -> memref<80xi32, #tpu.memory_space<vmem>>
        %dma_wait3A_177 = arith.constant 0 : i32
        %dma_wait3A_178 = arith.constant 0 : i32
        %dma_wait3A_179 = tpu.memref_slice %arg12[%dma_wait3A_177, %dma_wait3A_178] : memref<10112x128xf32, #tpu.memory_space<vmem_shared>> -> memref<10112x128xf32, #tpu.memory_space<vmem_shared>>
        tpu.wait_indirect_dma semaphore(%run_scoped3A : memref<!tpu.dma_semaphore, #tpu.memory_space<semaphore_mem>>) src(%arg8 : memref<80x128xf32, #tpu.memory_space<vmem>>) dst(%dma_wait3A_179 : memref<10112x128xf32, #tpu.memory_space<vmem_shared>>)
        tpu.yield
      }) : () -> ()
      %dma_wait3A_157 = arith.constant 0 : i32
      %dma_wait3A_158 = tpu.memref_slice %arg6[%add3A_141, %dma_wait3A_157] : memref<128x80xi32, #tpu.memory_space<vmem>> -> memref<1x80xi32, #tpu.memory_space<vmem>>
      %dma_wait3A_159 = tpu.memref_squeeze %dma_wait3A_158 : memref<1x80xi32, #tpu.memory_space<vmem>> -> memref<80xi32, #tpu.memory_space<vmem>>
      %dma_wait3A_160 = arith.constant 0 : i32
      %dma_wait3A_161 = arith.constant 0 : i32
      %dma_wait3A_162 = tpu.memref_slice %arg2[%dma_wait3A_160, %dma_wait3A_161] : memref<10000x128xf32, #tpu.memory_space<hbm>> -> memref<10000x128xf32, #tpu.memory_space<hbm>>
      tpu.wait_indirect_dma semaphore(%arg11 : memref<!tpu.dma_semaphore, #tpu.memory_space<semaphore_mem>>) src(%dma_wait3A_162 : memref<10000x128xf32, #tpu.memory_space<hbm>>) dst(%arg9 : memref<80x128xf32, #tpu.memory_space<vmem>>)
      %mul3A_163 = arith.constant 2 : i32
      %mul3A_164 = arith.muli %while3A_127, %mul3A_163 : i32
      %add3A_165 = arith.constant 1 : i32
      %add3A_166 = arith.addi %mul3A_164, %add3A_165 : i32
      "tpu.region"() ({
        %run_scoped3A = tpu.sem_alloc : memref<!tpu.dma_semaphore, #tpu.memory_space<semaphore_mem>>
        %dma_start3A_168 = arith.constant 0 : i32
        %dma_start3A_169 = tpu.memref_slice %arg7[%add3A_166, %dma_start3A_168] : memref<128x80xi32, #tpu.memory_space<vmem>> -> memref<1x80xi32, #tpu.memory_space<vmem>>
        %dma_start3A_170 = tpu.memref_squeeze %dma_start3A_169 : memref<1x80xi32, #tpu.memory_space<vmem>> -> memref<80xi32, #tpu.memory_space<vmem>>
        %dma_start3A_171 = arith.constant 0 : i32
        %dma_start3A_172 = arith.constant 0 : i32
        %dma_start3A_173 = tpu.memref_slice %arg12[%dma_start3A_171, %dma_start3A_172] : memref<10112x128xf32, #tpu.memory_space<vmem_shared>> -> memref<10112x128xf32, #tpu.memory_space<vmem_shared>>
        tpu.enqueue_indirect_dma source(%arg9 : memref<80x128xf32, #tpu.memory_space<vmem>>) target(%dma_start3A_173 : memref<10112x128xf32, #tpu.memory_space<vmem_shared>>) offsets(%dma_start3A_170 : memref<80xi32, #tpu.memory_space<vmem>>) semaphore(%run_scoped3A : memref<!tpu.dma_semaphore, #tpu.memory_space<semaphore_mem>>) {add = true}
        %dma_wait3A_174 = arith.constant 0 : i32
        %dma_wait3A_175 = tpu.memref_slice %arg7[%add3A_166, %dma_wait3A_174] : memref<128x80xi32, #tpu.memory_space<vmem>> -> memref<1x80xi32, #tpu.memory_space<vmem>>
        %dma_wait3A_176 = tpu.memref_squeeze %dma_wait3A_175 : memref<1x80xi32, #tpu.memory_space<vmem>> -> memref<80xi32, #tpu.memory_space<vmem>>
        %dma_wait3A_177 = arith.constant 0 : i32
        %dma_wait3A_178 = arith.constant 0 : i32
        %dma_wait3A_179 = tpu.memref_slice %arg12[%dma_wait3A_177, %dma_wait3A_178] : memref<10112x128xf32, #tpu.memory_space<vmem_shared>> -> memref<10112x128xf32, #tpu.memory_space<vmem_shared>>
        tpu.wait_indirect_dma semaphore(%run_scoped3A : memref<!tpu.dma_semaphore, #tpu.memory_space<semaphore_mem>>) src(%arg9 : memref<80x128xf32, #tpu.memory_space<vmem>>) dst(%dma_wait3A_179 : memref<10112x128xf32, #tpu.memory_space<vmem_shared>>)
        tpu.yield
      }) : () -> ()
      %while3A_167 = arith.constant 0 : i32
      scf.yield %while3A_167 : i32
    }
    %while3A_120 = arith.constant 1 : i32
    %while3A_121 = scf.for %while3A_127 = %while3A_117 to %while3A_113 step %while3A_120 iter_args(%while3A_128 = %while3A_119) -> (i32)  : i32 {
      %mul3A_129 = arith.constant 2 : i32
      %mul3A_130 = arith.muli %while3A_127, %mul3A_129 : i32
      %add3A_131 = arith.constant 0 : i32
      %add3A_132 = arith.addi %mul3A_130, %add3A_131 : i32
      %dma_start3A = arith.constant 0 : i32
      %dma_start3A_133 = tpu.memref_slice %arg6[%add3A_132, %dma_start3A] : memref<128x80xi32, #tpu.memory_space<vmem>> -> memref<1x80xi32, #tpu.memory_space<vmem>>
      %dma_start3A_134 = tpu.memref_squeeze %dma_start3A_133 : memref<1x80xi32, #tpu.memory_space<vmem>> -> memref<80xi32, #tpu.memory_space<vmem>>
      %dma_start3A_135 = arith.constant 0 : i32
      %dma_start3A_136 = arith.constant 0 : i32
      %dma_start3A_137 = tpu.memref_slice %arg2[%dma_start3A_135, %dma_start3A_136] : memref<10000x128xf32, #tpu.memory_space<hbm>> -> memref<10000x128xf32, #tpu.memory_space<hbm>>
      tpu.enqueue_indirect_dma source(%dma_start3A_137 : memref<10000x128xf32, #tpu.memory_space<hbm>>) target(%arg8 : memref<80x128xf32, #tpu.memory_space<vmem>>) offsets(%dma_start3A_134 : memref<80xi32, #tpu.memory_space<vmem>>) semaphore(%arg10 : memref<!tpu.dma_semaphore, #tpu.memory_space<semaphore_mem>>)
      %mul3A_138 = arith.constant 2 : i32
      %mul3A_139 = arith.muli %while3A_127, %mul3A_138 : i32
      %add3A_140 = arith.constant 1 : i32
      %add3A_141 = arith.addi %mul3A_139, %add3A_140 : i32
      %dma_start3A_142 = arith.constant 0 : i32
      %dma_start3A_143 = tpu.memref_slice %arg6[%add3A_141, %dma_start3A_142] : memref<128x80xi32, #tpu.memory_space<vmem>> -> memref<1x80xi32, #tpu.memory_space<vmem>>
      %dma_start3A_144 = tpu.memref_squeeze %dma_start3A_143 : memref<1x80xi32, #tpu.memory_space<vmem>> -> memref<80xi32, #tpu.memory_space<vmem>>
      %dma_start3A_145 = arith.constant 0 : i32
      %dma_start3A_146 = arith.constant 0 : i32
      %dma_start3A_147 = tpu.memref_slice %arg2[%dma_start3A_145, %dma_start3A_146] : memref<10000x128xf32, #tpu.memory_space<hbm>> -> memref<10000x128xf32, #tpu.memory_space<hbm>>
      tpu.enqueue_indirect_dma source(%dma_start3A_147 : memref<10000x128xf32, #tpu.memory_space<hbm>>) target(%arg9 : memref<80x128xf32, #tpu.memory_space<vmem>>) offsets(%dma_start3A_144 : memref<80xi32, #tpu.memory_space<vmem>>) semaphore(%arg11 : memref<!tpu.dma_semaphore, #tpu.memory_space<semaphore_mem>>)
      %dma_wait3A = arith.constant 0 : i32
      %dma_wait3A_148 = tpu.memref_slice %arg6[%add3A_132, %dma_wait3A] : memref<128x80xi32, #tpu.memory_space<vmem>> -> memref<1x80xi32, #tpu.memory_space<vmem>>
      %dma_wait3A_149 = tpu.memref_squeeze %dma_wait3A_148 : memref<1x80xi32, #tpu.memory_space<vmem>> -> memref<80xi32, #tpu.memory_space<vmem>>
      %dma_wait3A_150 = arith.constant 0 : i32
      %dma_wait3A_151 = arith.constant 0 : i32
      %dma_wait3A_152 = tpu.memref_slice %arg2[%dma_wait3A_150, %dma_wait3A_151] : memref<10000x128xf32, #tpu.memory_space<hbm>> -> memref<10000x128xf32, #tpu.memory_space<hbm>>
      tpu.wait_indirect_dma semaphore(%arg10 : memref<!tpu.dma_semaphore, #tpu.memory_space<semaphore_mem>>) src(%dma_wait3A_152 : memref<10000x128xf32, #tpu.memory_space<hbm>>) dst(%arg8 : memref<80x128xf32, #tpu.memory_space<vmem>>)
      %mul3A_153 = arith.constant 2 : i32
      %mul3A_154 = arith.muli %while3A_127, %mul3A_153 : i32
      %add3A_155 = arith.constant 0 : i32
      %add3A_156 = arith.addi %mul3A_154, %add3A_155 : i32
      "tpu.region"() ({
        %run_scoped3A = tpu.sem_alloc : memref<!tpu.dma_semaphore, #tpu.memory_space<semaphore_mem>>
        %dma_start3A_168 = arith.constant 0 : i32
        %dma_start3A_169 = tpu.memref_slice %arg7[%add3A_156, %dma_start3A_168] : memref<128x80xi32, #tpu.memory_space<vmem>> -> memref<1x80xi32, #tpu.memory_space<vmem>>
        %dma_start3A_170 = tpu.memref_squeeze %dma_start3A_169 : memref<1x80xi32, #tpu.memory_space<vmem>> -> memref<80xi32, #tpu.memory_space<vmem>>
        %dma_start3A_171 = arith.constant 0 : i32
        %dma_start3A_172 = arith.constant 0 : i32
        %dma_start3A_173 = tpu.memref_slice %arg12[%dma_start3A_171, %dma_start3A_172] : memref<10112x128xf32, #tpu.memory_space<vmem_shared>> -> memref<10112x128xf32, #tpu.memory_space<vmem_shared>>
        tpu.enqueue_indirect_dma source(%arg8 : memref<80x128xf32, #tpu.memory_space<vmem>>) target(%dma_start3A_173 : memref<10112x128xf32, #tpu.memory_space<vmem_shared>>) offsets(%dma_start3A_170 : memref<80xi32, #tpu.memory_space<vmem>>) semaphore(%run_scoped3A : memref<!tpu.dma_semaphore, #tpu.memory_space<semaphore_mem>>) {add = true}
        %dma_wait3A_174 = arith.constant 0 : i32
        %dma_wait3A_175 = tpu.memref_slice %arg7[%add3A_156, %dma_wait3A_174] : memref<128x80xi32, #tpu.memory_space<vmem>> -> memref<1x80xi32, #tpu.memory_space<vmem>>
        %dma_wait3A_176 = tpu.memref_squeeze %dma_wait3A_175 : memref<1x80xi32, #tpu.memory_space<vmem>> -> memref<80xi32, #tpu.memory_space<vmem>>
        %dma_wait3A_177 = arith.constant 0 : i32
        %dma_wait3A_178 = arith.constant 0 : i32
        %dma_wait3A_179 = tpu.memref_slice %arg12[%dma_wait3A_177, %dma_wait3A_178] : memref<10112x128xf32, #tpu.memory_space<vmem_shared>> -> memref<10112x128xf32, #tpu.memory_space<vmem_shared>>
        tpu.wait_indirect_dma semaphore(%run_scoped3A : memref<!tpu.dma_semaphore, #tpu.memory_space<semaphore_mem>>) src(%arg8 : memref<80x128xf32, #tpu.memory_space<vmem>>) dst(%dma_wait3A_179 : memref<10112x128xf32, #tpu.memory_space<vmem_shared>>)
        tpu.yield
      }) : () -> ()
      %dma_wait3A_157 = arith.constant 0 : i32
      %dma_wait3A_158 = tpu.memref_slice %arg6[%add3A_141, %dma_wait3A_157] : memref<128x80xi32, #tpu.memory_space<vmem>> -> memref<1x80xi32, #tpu.memory_space<vmem>>
      %dma_wait3A_159 = tpu.memref_squeeze %dma_wait3A_158 : memref<1x80xi32, #tpu.memory_space<vmem>> -> memref<80xi32, #tpu.memory_space<vmem>>
      %dma_wait3A_160 = arith.constant 0 : i32
      %dma_wait3A_161 = arith.constant 0 : i32
      %dma_wait3A_162 = tpu.memref_slice %arg2[%dma_wait3A_160, %dma_wait3A_161] : memref<10000x128xf32, #tpu.memory_space<hbm>> -> memref<10000x128xf32, #tpu.memory_space<hbm>>
      tpu.wait_indirect_dma semaphore(%arg11 : memref<!tpu.dma_semaphore, #tpu.memory_space<semaphore_mem>>) src(%dma_wait3A_162 : memref<10000x128xf32, #tpu.memory_space<hbm>>) dst(%arg9 : memref<80x128xf32, #tpu.memory_space<vmem>>)
      %mul3A_163 = arith.constant 2 : i32
      %mul3A_164 = arith.muli %while3A_127, %mul3A_163 : i32
      %add3A_165 = arith.constant 1 : i32
      %add3A_166 = arith.addi %mul3A_164, %add3A_165 : i32
      "tpu.region"() ({
        %run_scoped3A = tpu.sem_alloc : memref<!tpu.dma_semaphore, #tpu.memory_space<semaphore_mem>>
        %dma_start3A_168 = arith.constant 0 : i32
        %dma_start3A_169 = tpu.memref_slice %arg7[%add3A_166, %dma_start3A_168] : memref<128x80xi32, #tpu.memory_space<vmem>> -> memref<1x80xi32, #tpu.memory_space<vmem>>
        %dma_start3A_170 = tpu.memref_squeeze %dma_start3A_169 : memref<1x80xi32, #tpu.memory_space<vmem>> -> memref<80xi32, #tpu.memory_space<vmem>>
        %dma_start3A_171 = arith.constant 0 : i32
        %dma_start3A_172 = arith.constant 0 : i32
        %dma_start3A_173 = tpu.memref_slice %arg12[%dma_start3A_171, %dma_start3A_172] : memref<10112x128xf32, #tpu.memory_space<vmem_shared>> -> memref<10112x128xf32, #tpu.memory_space<vmem_shared>>
        tpu.enqueue_indirect_dma source(%arg9 : memref<80x128xf32, #tpu.memory_space<vmem>>) target(%dma_start3A_173 : memref<10112x128xf32, #tpu.memory_space<vmem_shared>>) offsets(%dma_start3A_170 : memref<80xi32, #tpu.memory_space<vmem>>) semaphore(%run_scoped3A : memref<!tpu.dma_semaphore, #tpu.memory_space<semaphore_mem>>) {add = true}
        %dma_wait3A_174 = arith.constant 0 : i32
        %dma_wait3A_175 = tpu.memref_slice %arg7[%add3A_166, %dma_wait3A_174] : memref<128x80xi32, #tpu.memory_space<vmem>> -> memref<1x80xi32, #tpu.memory_space<vmem>>
        %dma_wait3A_176 = tpu.memref_squeeze %dma_wait3A_175 : memref<1x80xi32, #tpu.memory_space<vmem>> -> memref<80xi32, #tpu.memory_space<vmem>>
        %dma_wait3A_177 = arith.constant 0 : i32
        %dma_wait3A_178 = arith.constant 0 : i32
        %dma_wait3A_179 = tpu.memref_slice %arg12[%dma_wait3A_177, %dma_wait3A_178] : memref<10112x128xf32, #tpu.memory_space<vmem_shared>> -> memref<10112x128xf32, #tpu.memory_space<vmem_shared>>
        tpu.wait_indirect_dma semaphore(%run_scoped3A : memref<!tpu.dma_semaphore, #tpu.memory_space<semaphore_mem>>) src(%arg9 : memref<80x128xf32, #tpu.memory_space<vmem>>) dst(%dma_wait3A_179 : memref<10112x128xf32, #tpu.memory_space<vmem_shared>>)
        tpu.yield
      }) : () -> ()
      %while3A_167 = arith.constant 0 : i32
      scf.yield %while3A_167 : i32
    }
    %barrier3A_122 = arith.constant 0 : index
    tpu.barrier barrier_id(%barrier3A_122)
    %mul3A_123 = arith.constant 632 : i32
    %mul3A_124 = arith.muli %arg1, %mul3A_123 : i32
    %mul3A_125 = arith.constant 632 : i32
    %mul3A_126 = arith.muli %arg1, %mul3A_125 : i32
    "tpu.region"() ({
      %run_scoped3A = tpu.sem_alloc : memref<!tpu.dma_semaphore, #tpu.memory_space<semaphore_mem>>
      %dma_start3A = arith.constant 0 : i32
      %dma_start3A_127 = tpu.memref_slice %arg5[%arg0, %mul3A_126, %dma_start3A] : memref<2x10112x128xf32, #tpu.memory_space<hbm>> -> memref<1x632x128xf32, #tpu.memory_space<hbm>>
      %dma_start3A_128 = tpu.memref_squeeze %dma_start3A_127 : memref<1x632x128xf32, #tpu.memory_space<hbm>> -> memref<632x128xf32, #tpu.memory_space<hbm>>
      %dma_start3A_129 = arith.constant 0 : i32
      %dma_start3A_130 = tpu.memref_slice %arg12[%mul3A_124, %dma_start3A_129] : memref<10112x128xf32, #tpu.memory_space<vmem_shared>> -> memref<632x128xf32, #tpu.memory_space<vmem_shared>>
      tpu.enqueue_dma source(%dma_start3A_130 : memref<632x128xf32, #tpu.memory_space<vmem_shared>>) target(%dma_start3A_128 : memref<632x128xf32, #tpu.memory_space<hbm>>) target_semaphore(%run_scoped3A : memref<!tpu.dma_semaphore, #tpu.memory_space<semaphore_mem>>)
      %dma_wait3A = arith.constant 0 : i32
      %dma_wait3A_131 = tpu.memref_slice %arg5[%arg0, %mul3A_126, %dma_wait3A] : memref<2x10112x128xf32, #tpu.memory_space<hbm>> -> memref<1x632x128xf32, #tpu.memory_space<hbm>>
      %dma_wait3A_132 = tpu.memref_squeeze %dma_wait3A_131 : memref<1x632x128xf32, #tpu.memory_space<hbm>> -> memref<632x128xf32, #tpu.memory_space<hbm>>
      %dma_wait3A_133 = arith.constant 0 : i32
      %dma_wait3A_134 = tpu.memref_slice %arg12[%mul3A_124, %dma_wait3A_133] : memref<10112x128xf32, #tpu.memory_space<vmem_shared>> -> memref<632x128xf32, #tpu.memory_space<vmem_shared>>
      tpu.wait_dma2 semaphore(%run_scoped3A : memref<!tpu.dma_semaphore, #tpu.memory_space<semaphore_mem>>) src(%dma_wait3A_134 : memref<632x128xf32, #tpu.memory_space<vmem_shared>>) dst(%dma_wait3A_132 : memref<632x128xf32, #tpu.memory_space<hbm>>)
      tpu.yield
    }) : () -> ()
    return
  }
}

#map = affine_map<(d0, d1) -> (0, 0, 0)>
#map1 = affine_map<(d0, d1) -> (0, 0)>
module attributes {stable_mosaic.version = 14 : i64} {
  func.func @_deg_body(%arg0: i32, %arg1: i32, %arg2: memref<32x128x80xi32, #tpu.memory_space<hbm>>, %arg3: memref<2x10240xf32, #tpu.memory_space<hbm>>, %arg4: memref<128x80xi32, #tpu.memory_space<vmem>>, %arg5: memref<80xf32, #tpu.memory_space<vmem>>, %arg6: memref<640xf32, #tpu.memory_space<vmem>>, %arg7: memref<10240xf32, #tpu.memory_space<vmem_shared>>) attributes {dimension_semantics = [#tpu.dimension_semantics<core_parallel>, #tpu.dimension_semantics<subcore_parallel>], iteration_bounds = array<i64: 2, 16>, scalar_prefetch = 0 : i64, scratch_operands = 4 : i64, tpu.core_type = #tpu.core_type<sc_vector_subcore>, window_params = [{transform_indices = #map}, {transform_indices = #map1}]} {
    %broadcast_in_dim3A = arith.constant 0.000000e+00 : f32
    %broadcast_in_dim3A_0 = vector.broadcast %broadcast_in_dim3A : f32 to vector<16xf32>
    %broadcast_in_dim3A_1 = arith.constant 1.000000e+00 : f32
    %broadcast_in_dim3A_2 = vector.broadcast %broadcast_in_dim3A_1 : f32 to vector<16xf32>
    %scan3A = arith.constant 0 : i32
    %scan3A_3 = arith.constant 0 : i32
    %scan3A_4 = arith.constant 40 : i32
    %scan3A_5 = arith.addi %scan3A_3, %scan3A_4 : i32
    %scan3A_6 = arith.constant 1 : i32
    %scan3A_7 = scf.for %scan3A_43 = %scan3A_3 to %scan3A_5 step %scan3A_6 iter_args(%scan3A_44 = %scan3A) -> (i32)  : i32 {
      %mul3A_45 = arith.constant 16 : i32
      %mul3A_46 = arith.muli %scan3A_43, %mul3A_45 : i32
      %swap3A_47 = arith.index_cast %mul3A_46 : i32 to index
      %swap3A_48 = tpu.vector_load %arg6[%swap3A_47] {strides = array<i32>} : memref<640xf32, #tpu.memory_space<vmem>>, vector<16xf32>,
      %swap3A_49 = vector.shape_cast %swap3A_48 : vector<16xf32> to vector<16xf32>
      %swap3A_50 = vector.shape_cast %broadcast_in_dim3A_0 : vector<16xf32> to vector<16xf32>
      tpu.vector_store %arg6[%swap3A_47], %swap3A_50 {strides = array<i32>} : memref<640xf32, #tpu.memory_space<vmem>>, vector<16xf32>,
      %scan3A_51 = arith.constant 0 : i32
      scf.yield %scan3A_51 : i32
    }
    %scan3A_8 = arith.constant 40 : i32
    %swap3A = arith.constant 0 : index
    %swap3A_9 = tpu.vector_load %arg5[%swap3A] {strides = array<i32>} : memref<80xf32, #tpu.memory_space<vmem>>, vector<16xf32>,
    %swap3A_10 = vector.shape_cast %swap3A_9 : vector<16xf32> to vector<16xf32>
    %swap3A_11 = vector.shape_cast %broadcast_in_dim3A_2 : vector<16xf32> to vector<16xf32>
    tpu.vector_store %arg5[%swap3A], %swap3A_11 {strides = array<i32>} : memref<80xf32, #tpu.memory_space<vmem>>, vector<16xf32>,
    %swap3A_12 = arith.constant 16 : index
    %swap3A_13 = tpu.vector_load %arg5[%swap3A_12] {strides = array<i32>} : memref<80xf32, #tpu.memory_space<vmem>>, vector<16xf32>,
    %swap3A_14 = vector.shape_cast %swap3A_13 : vector<16xf32> to vector<16xf32>
    %swap3A_15 = vector.shape_cast %broadcast_in_dim3A_2 : vector<16xf32> to vector<16xf32>
    tpu.vector_store %arg5[%swap3A_12], %swap3A_15 {strides = array<i32>} : memref<80xf32, #tpu.memory_space<vmem>>, vector<16xf32>,
    %swap3A_16 = arith.constant 32 : index
    %swap3A_17 = tpu.vector_load %arg5[%swap3A_16] {strides = array<i32>} : memref<80xf32, #tpu.memory_space<vmem>>, vector<16xf32>,
    %swap3A_18 = vector.shape_cast %swap3A_17 : vector<16xf32> to vector<16xf32>
    %swap3A_19 = vector.shape_cast %broadcast_in_dim3A_2 : vector<16xf32> to vector<16xf32>
    tpu.vector_store %arg5[%swap3A_16], %swap3A_19 {strides = array<i32>} : memref<80xf32, #tpu.memory_space<vmem>>, vector<16xf32>,
    %swap3A_20 = arith.constant 48 : index
    %swap3A_21 = tpu.vector_load %arg5[%swap3A_20] {strides = array<i32>} : memref<80xf32, #tpu.memory_space<vmem>>, vector<16xf32>,
    %swap3A_22 = vector.shape_cast %swap3A_21 : vector<16xf32> to vector<16xf32>
    %swap3A_23 = vector.shape_cast %broadcast_in_dim3A_2 : vector<16xf32> to vector<16xf32>
    tpu.vector_store %arg5[%swap3A_20], %swap3A_23 {strides = array<i32>} : memref<80xf32, #tpu.memory_space<vmem>>, vector<16xf32>,
    %swap3A_24 = arith.constant 64 : index
    %swap3A_25 = tpu.vector_load %arg5[%swap3A_24] {strides = array<i32>} : memref<80xf32, #tpu.memory_space<vmem>>, vector<16xf32>,
    %swap3A_26 = vector.shape_cast %swap3A_25 : vector<16xf32> to vector<16xf32>
    %swap3A_27 = vector.shape_cast %broadcast_in_dim3A_2 : vector<16xf32> to vector<16xf32>
    tpu.vector_store %arg5[%swap3A_24], %swap3A_27 {strides = array<i32>} : memref<80xf32, #tpu.memory_space<vmem>>, vector<16xf32>,
    %mul3A = arith.constant 640 : i32
    %mul3A_28 = arith.muli %arg1, %mul3A : i32
    "tpu.region"() ({
      %run_scoped3A = tpu.sem_alloc : memref<!tpu.dma_semaphore, #tpu.memory_space<semaphore_mem>>
      %dma_start3A = tpu.memref_slice %arg7[%mul3A_28] : memref<10240xf32, #tpu.memory_space<vmem_shared>> -> memref<640xf32, #tpu.memory_space<vmem_shared>>
      %dma_start3A_43 = tpu.memref_slice %arg7[%mul3A_28] : memref<10240xf32, #tpu.memory_space<vmem_shared>> -> memref<640xf32, #tpu.memory_space<vmem_shared>>
      tpu.enqueue_dma source(%arg6 : memref<640xf32, #tpu.memory_space<vmem>>) target(%dma_start3A_43 : memref<640xf32, #tpu.memory_space<vmem_shared>>) target_semaphore(%run_scoped3A : memref<!tpu.dma_semaphore, #tpu.memory_space<semaphore_mem>>)
      %dma_wait3A = tpu.memref_slice %arg7[%mul3A_28] : memref<10240xf32, #tpu.memory_space<vmem_shared>> -> memref<640xf32, #tpu.memory_space<vmem_shared>>
      %dma_wait3A_44 = tpu.memref_slice %arg7[%mul3A_28] : memref<10240xf32, #tpu.memory_space<vmem_shared>> -> memref<640xf32, #tpu.memory_space<vmem_shared>>
      tpu.wait_dma2 semaphore(%run_scoped3A : memref<!tpu.dma_semaphore, #tpu.memory_space<semaphore_mem>>) src(%arg6 : memref<640xf32, #tpu.memory_space<vmem>>) dst(%dma_wait3A_44 : memref<640xf32, #tpu.memory_space<vmem_shared>>)
      tpu.yield
    }) : () -> ()
    %barrier3A = arith.constant 0 : index
    tpu.barrier barrier_id(%barrier3A)
    %mul3A_29 = arith.constant 2 : i32
    %mul3A_30 = arith.muli %arg1, %mul3A_29 : i32
    %add3A = arith.addi %mul3A_30, %arg0 : i32
    "tpu.region"() ({
      %run_scoped3A = tpu.sem_alloc : memref<!tpu.dma_semaphore, #tpu.memory_space<semaphore_mem>>
      %dma_start3A = arith.constant 0 : i32
      %dma_start3A_43 = arith.constant 0 : i32
      %dma_start3A_44 = tpu.memref_slice %arg2[%add3A, %dma_start3A, %dma_start3A_43] : memref<32x128x80xi32, #tpu.memory_space<hbm>> -> memref<1x128x80xi32, #tpu.memory_space<hbm>>
      %dma_start3A_45 = tpu.memref_squeeze %dma_start3A_44 : memref<1x128x80xi32, #tpu.memory_space<hbm>> -> memref<128x80xi32, #tpu.memory_space<hbm>>
      %dma_start3A_46 = arith.constant 0 : i32
      %dma_start3A_47 = arith.constant 0 : i32
      %dma_start3A_48 = tpu.memref_slice %arg2[%add3A, %dma_start3A_46, %dma_start3A_47] : memref<32x128x80xi32, #tpu.memory_space<hbm>> -> memref<1x128x80xi32, #tpu.memory_space<hbm>>
      %dma_start3A_49 = tpu.memref_squeeze %dma_start3A_48 : memref<1x128x80xi32, #tpu.memory_space<hbm>> -> memref<128x80xi32, #tpu.memory_space<hbm>>
      tpu.enqueue_dma source(%dma_start3A_49 : memref<128x80xi32, #tpu.memory_space<hbm>>) target(%arg4 : memref<128x80xi32, #tpu.memory_space<vmem>>) target_semaphore(%run_scoped3A : memref<!tpu.dma_semaphore, #tpu.memory_space<semaphore_mem>>)
      %dma_wait3A = arith.constant 0 : i32
      %dma_wait3A_50 = arith.constant 0 : i32
      %dma_wait3A_51 = tpu.memref_slice %arg2[%add3A, %dma_wait3A, %dma_wait3A_50] : memref<32x128x80xi32, #tpu.memory_space<hbm>> -> memref<1x128x80xi32, #tpu.memory_space<hbm>>
      %dma_wait3A_52 = tpu.memref_squeeze %dma_wait3A_51 : memref<1x128x80xi32, #tpu.memory_space<hbm>> -> memref<128x80xi32, #tpu.memory_space<hbm>>
      %dma_wait3A_53 = arith.constant 0 : i32
      %dma_wait3A_54 = arith.constant 0 : i32
      %dma_wait3A_55 = tpu.memref_slice %arg2[%add3A, %dma_wait3A_53, %dma_wait3A_54] : memref<32x128x80xi32, #tpu.memory_space<hbm>> -> memref<1x128x80xi32, #tpu.memory_space<hbm>>
      %dma_wait3A_56 = tpu.memref_squeeze %dma_wait3A_55 : memref<1x128x80xi32, #tpu.memory_space<hbm>> -> memref<128x80xi32, #tpu.memory_space<hbm>>
      tpu.wait_dma2 semaphore(%run_scoped3A : memref<!tpu.dma_semaphore, #tpu.memory_space<semaphore_mem>>) src(%dma_wait3A_56 : memref<128x80xi32, #tpu.memory_space<hbm>>) dst(%arg4 : memref<128x80xi32, #tpu.memory_space<vmem>>)
      tpu.yield
    }) : () -> ()
    %scan3A_31 = arith.constant 0 : i32
    %scan3A_32 = arith.constant 0 : i32
    %scan3A_33 = arith.constant 128 : i32
    %scan3A_34 = arith.addi %scan3A_32, %scan3A_33 : i32
    %scan3A_35 = arith.constant 1 : i32
    %scan3A_36 = scf.for %scan3A_43 = %scan3A_32 to %scan3A_34 step %scan3A_35 iter_args(%scan3A_44 = %scan3A_31) -> (i32)  : i32 {
      "tpu.region"() ({
        %run_scoped3A = tpu.sem_alloc : memref<!tpu.dma_semaphore, #tpu.memory_space<semaphore_mem>>
        %dma_start3A = arith.constant 0 : i32
        %dma_start3A_46 = tpu.memref_slice %arg4[%scan3A_43, %dma_start3A] : memref<128x80xi32, #tpu.memory_space<vmem>> -> memref<1x80xi32, #tpu.memory_space<vmem>>
        %dma_start3A_47 = tpu.memref_squeeze %dma_start3A_46 : memref<1x80xi32, #tpu.memory_space<vmem>> -> memref<80xi32, #tpu.memory_space<vmem>>
        %dma_start3A_48 = arith.constant 0 : i32
        %dma_start3A_49 = tpu.memref_slice %arg7[%dma_start3A_48] : memref<10240xf32, #tpu.memory_space<vmem_shared>> -> memref<10240xf32, #tpu.memory_space<vmem_shared>>
        tpu.enqueue_indirect_dma source(%arg5 : memref<80xf32, #tpu.memory_space<vmem>>) target(%dma_start3A_49 : memref<10240xf32, #tpu.memory_space<vmem_shared>>) offsets(%dma_start3A_47 : memref<80xi32, #tpu.memory_space<vmem>>) semaphore(%run_scoped3A : memref<!tpu.dma_semaphore, #tpu.memory_space<semaphore_mem>>) {add = true}
        %dma_wait3A = arith.constant 0 : i32
        %dma_wait3A_50 = tpu.memref_slice %arg4[%scan3A_43, %dma_wait3A] : memref<128x80xi32, #tpu.memory_space<vmem>> -> memref<1x80xi32, #tpu.memory_space<vmem>>
        %dma_wait3A_51 = tpu.memref_squeeze %dma_wait3A_50 : memref<1x80xi32, #tpu.memory_space<vmem>> -> memref<80xi32, #tpu.memory_space<vmem>>
        %dma_wait3A_52 = arith.constant 0 : i32
        %dma_wait3A_53 = tpu.memref_slice %arg7[%dma_wait3A_52] : memref<10240xf32, #tpu.memory_space<vmem_shared>> -> memref<10240xf32, #tpu.memory_space<vmem_shared>>
        tpu.wait_indirect_dma semaphore(%run_scoped3A : memref<!tpu.dma_semaphore, #tpu.memory_space<semaphore_mem>>) src(%arg5 : memref<80xf32, #tpu.memory_space<vmem>>) dst(%dma_wait3A_53 : memref<10240xf32, #tpu.memory_space<vmem_shared>>)
        tpu.yield
      }) : () -> ()
      %scan3A_45 = arith.constant 0 : i32
      scf.yield %scan3A_45 : i32
    }
    %scan3A_37 = arith.constant 128 : i32
    %barrier3A_38 = arith.constant 0 : index
    tpu.barrier barrier_id(%barrier3A_38)
    %mul3A_39 = arith.constant 640 : i32
    %mul3A_40 = arith.muli %arg1, %mul3A_39 : i32
    %mul3A_41 = arith.constant 640 : i32
    %mul3A_42 = arith.muli %arg1, %mul3A_41 : i32
    "tpu.region"() ({
      %run_scoped3A = tpu.sem_alloc : memref<!tpu.dma_semaphore, #tpu.memory_space<semaphore_mem>>
      %dma_start3A = tpu.memref_slice %arg3[%arg0, %mul3A_42] : memref<2x10240xf32, #tpu.memory_space<hbm>> -> memref<1x640xf32, #tpu.memory_space<hbm>>
      %dma_start3A_43 = tpu.memref_squeeze %dma_start3A : memref<1x640xf32, #tpu.memory_space<hbm>> -> memref<640xf32, #tpu.memory_space<hbm>>
      %dma_start3A_44 = tpu.memref_slice %arg7[%mul3A_40] : memref<10240xf32, #tpu.memory_space<vmem_shared>> -> memref<640xf32, #tpu.memory_space<vmem_shared>>
      tpu.enqueue_dma source(%dma_start3A_44 : memref<640xf32, #tpu.memory_space<vmem_shared>>) target(%dma_start3A_43 : memref<640xf32, #tpu.memory_space<hbm>>) target_semaphore(%run_scoped3A : memref<!tpu.dma_semaphore, #tpu.memory_space<semaphore_mem>>)
      %dma_wait3A = tpu.memref_slice %arg3[%arg0, %mul3A_42] : memref<2x10240xf32, #tpu.memory_space<hbm>> -> memref<1x640xf32, #tpu.memory_space<hbm>>
      %dma_wait3A_45 = tpu.memref_squeeze %dma_wait3A : memref<1x640xf32, #tpu.memory_space<hbm>> -> memref<640xf32, #tpu.memory_space<hbm>>
      %dma_wait3A_46 = tpu.memref_slice %arg7[%mul3A_40] : memref<10240xf32, #tpu.memory_space<vmem_shared>> -> memref<640xf32, #tpu.memory_space<vmem_shared>>
      tpu.wait_dma2 semaphore(%run_scoped3A : memref<!tpu.dma_semaphore, #tpu.memory_space<semaphore_mem>>) src(%dma_wait3A_46 : memref<640xf32, #tpu.memory_space<vmem_shared>>) dst(%dma_wait3A_45 : memref<640xf32, #tpu.memory_space<hbm>>)
      tpu.yield
    }) : () -> ()
    return
  }
}

module attributes {stable_mosaic.version = 14 : i64} {
  func.func @_final_body(%arg0: i32, %arg1: memref<2x1024x128xf32, #tpu.memory_space<vmem>>, %arg2: memref<2x1024xf32, #tpu.memory_space<vmem>>, %arg3: memref<1024x128xf32, #tpu.memory_space<vmem>>, %arg4: memref<1024x128xf32, #tpu.memory_space<vmem>>) attributes {dimension_semantics = [#tpu.dimension_semantics<arbitrary>], iteration_bounds = array<i64: 10>, scalar_prefetch = 0 : i64, scratch_operands = 0 : i64, tpu.core_type = #tpu.core_type<tc>, window_params = [{transform_indices = @transform_0, window_bounds = array<i64: 2, 1024, 128>}, {transform_indices = @transform_1, window_bounds = array<i64: 2, 1024>}, {transform_indices = @transform_2, window_bounds = array<i64: 1024, 128>}, {transform_indices = @transform_3, window_bounds = array<i64: 1024, 128>}]} {
    %get3A = arith.constant 0 : index
    %get3A_0 = arith.constant 0 : index
    %get3A_1 = vector.load %arg2[%get3A, %get3A_0] : memref<2x1024xf32, #tpu.memory_space<vmem>>, vector<1x1024xf32>
    %get3A_2 = vector.shape_cast %get3A_1 : vector<1x1024xf32> to vector<1024xf32>
    %get3A_3 = arith.constant 1 : index
    %get3A_4 = arith.constant 0 : index
    %get3A_5 = vector.load %arg2[%get3A_3, %get3A_4] : memref<2x1024xf32, #tpu.memory_space<vmem>>, vector<1x1024xf32>
    %get3A_6 = vector.shape_cast %get3A_5 : vector<1x1024xf32> to vector<1024xf32>
    %add3A = arith.addf %get3A_2, %get3A_6 : vector<1024xf32>
    %add3A_7 = arith.constant 1.000000e+00 : f32
    %add3A_8 = vector.broadcast %add3A_7 : f32 to vector<1024xf32>
    %add3A_9 = arith.addf %add3A, %add3A_8 : vector<1024xf32>
    %rsqrt3A = math.rsqrt %add3A_9 : vector<1024xf32>
    %get3A_10 = arith.constant 0 : index
    %get3A_11 = arith.constant 0 : index
    %get3A_12 = arith.constant 0 : index
    %get3A_13 = vector.load %arg1[%get3A_10, %get3A_11, %get3A_12] : memref<2x1024x128xf32, #tpu.memory_space<vmem>>, vector<1x1024x128xf32>
    %get3A_14 = vector.shape_cast %get3A_13 : vector<1x1024x128xf32> to vector<1024x128xf32>
    %get3A_15 = arith.constant 1 : index
    %get3A_16 = arith.constant 0 : index
    %get3A_17 = arith.constant 0 : index
    %get3A_18 = vector.load %arg1[%get3A_15, %get3A_16, %get3A_17] : memref<2x1024x128xf32, #tpu.memory_space<vmem>>, vector<1x1024x128xf32>
    %get3A_19 = vector.shape_cast %get3A_18 : vector<1x1024x128xf32> to vector<1024x128xf32>
    %add3A_20 = arith.addf %get3A_14, %get3A_19 : vector<1024x128xf32>
    %get3A_21 = arith.constant 0 : index
    %get3A_22 = arith.constant 0 : index
    %get3A_23 = vector.load %arg3[%get3A_21, %get3A_22] : memref<1024x128xf32, #tpu.memory_space<vmem>>, vector<1024x128xf32>
    %broadcast_in_dim3A = vector.shape_cast %rsqrt3A : vector<1024xf32> to vector<1024x1xf32>
    %mul3A = vector.broadcast %broadcast_in_dim3A : vector<1024x1xf32> to vector<1024x128xf32>
    %mul3A_24 = arith.mulf %add3A_20, %mul3A : vector<1024x128xf32>
    %add3A_25 = arith.addf %get3A_23, %mul3A_24 : vector<1024x128xf32>
    %swap3A = arith.constant 0 : index
    %swap3A_26 = arith.constant 0 : index
    %swap3A_27 = vector.load %arg4[%swap3A, %swap3A_26] : memref<1024x128xf32, #tpu.memory_space<vmem>>, vector<1024x128xf32>
    tpu.vector_store %arg4[%swap3A, %swap3A_26], %add3A_25 {strides = array<i32>} : memref<1024x128xf32, #tpu.memory_space<vmem>>, vector<1024x128xf32>,
    return
  }
  func.func @transform_0(%arg0: i32) -> (i32, i32, i32) {
    %c0_i32 = arith.constant 0 : i32
    %c0_i32_0 = arith.constant 0 : i32
    %c0_i32_1 = arith.constant 0 : i32
    return %c0_i32, %arg0, %c0_i32_0 : i32, i32, i32
  }
  func.func @transform_1(%arg0: i32) -> (i32, i32) {
    %c0_i32 = arith.constant 0 : i32
    %c0_i32_0 = arith.constant 0 : i32
    return %c0_i32, %arg0 : i32, i32
  }
  func.func @transform_2(%arg0: i32) -> (i32, i32) {
    %c0_i32 = arith.constant 0 : i32
    %c0_i32_0 = arith.constant 0 : i32
    return %arg0, %c0_i32 : i32, i32
  }
  func.func @transform_3(%arg0: i32) -> (i32, i32) {
    %c0_i32 = arith.constant 0 : i32
    %c0_i32_0 = arith.constant 0 : i32
    return %arg0, %c0_i32 : i32, i32
  }
}

module attributes {stable_mosaic.version = 14 : i64} {
  func.func @_mid_body(%arg0: i32, %arg1: memref<1024x128xf32, #tpu.memory_space<vmem>>, %arg2: memref<128x128xf32, #tpu.memory_space<vmem>>, %arg3: memref<1x128xf32, #tpu.memory_space<vmem>>, %arg4: memref<2x1024xf32, #tpu.memory_space<vmem>>, %arg5: memref<1024x128xf32, #tpu.memory_space<vmem>>, %arg6: memref<1024x128xf32, #tpu.memory_space<vmem>>) attributes {dimension_semantics = [#tpu.dimension_semantics<arbitrary>], iteration_bounds = array<i64: 10>, scalar_prefetch = 0 : i64, scratch_operands = 0 : i64, tpu.core_type = #tpu.core_type<tc>, window_params = [{transform_indices = @transform_0, window_bounds = array<i64: 1024, 128>}, {pipeline_mode = #tpu.pipeline_mode<synchronous>, transform_indices = @transform_1, window_bounds = array<i64: 128, 128>}, {pipeline_mode = #tpu.pipeline_mode<synchronous>, transform_indices = @transform_2, window_bounds = array<i64: 1, 128>}, {transform_indices = @transform_3, window_bounds = array<i64: 2, 1024>}, {transform_indices = @transform_4, window_bounds = array<i64: 1024, 128>}, {transform_indices = @transform_5, window_bounds = array<i64: 1024, 128>}]} {
    %get3A = arith.constant 0 : index
    %get3A_0 = arith.constant 0 : index
    %get3A_1 = vector.load %arg1[%get3A, %get3A_0] : memref<1024x128xf32, #tpu.memory_space<vmem>>, vector<1024x128xf32>
    %get3A_2 = arith.constant 0 : index
    %get3A_3 = arith.constant 0 : index
    %get3A_4 = vector.load %arg2[%get3A_2, %get3A_3] : memref<128x128xf32, #tpu.memory_space<vmem>>, vector<128x128xf32>
    %dot_general3A = arith.constant dense<0.000000e+00> : vector<1024x128xf32>
    %dot_general3A_5 = tpu.matmul %get3A_1, %get3A_4, %dot_general3A {dimension_numbers = #tpu.dot_dimension_numbers<[1], [0], [0], [1], [0, 0, 1, 1], [], []>, transpose_lhs_hint = false} : vector<1024x128xf32>, vector<128x128xf32>, vector<1024x128xf32> -> vector<1024x128xf32>
    %get3A_6 = arith.constant 0 : index
    %get3A_7 = arith.constant 0 : index
    %get3A_8 = vector.load %arg4[%get3A_6, %get3A_7] : memref<2x1024xf32, #tpu.memory_space<vmem>>, vector<1x1024xf32>
    %get3A_9 = vector.shape_cast %get3A_8 : vector<1x1024xf32> to vector<1024xf32>
    %get3A_10 = arith.constant 1 : index
    %get3A_11 = arith.constant 0 : index
    %get3A_12 = vector.load %arg4[%get3A_10, %get3A_11] : memref<2x1024xf32, #tpu.memory_space<vmem>>, vector<1x1024xf32>
    %get3A_13 = vector.shape_cast %get3A_12 : vector<1x1024xf32> to vector<1024xf32>
    %add3A = arith.addf %get3A_9, %get3A_13 : vector<1024xf32>
    %add3A_14 = arith.constant 1.000000e+00 : f32
    %add3A_15 = vector.broadcast %add3A_14 : f32 to vector<1024xf32>
    %add3A_16 = arith.addf %add3A, %add3A_15 : vector<1024xf32>
    %rsqrt3A = math.rsqrt %add3A_16 : vector<1024xf32>
    %broadcast_in_dim3A = vector.shape_cast %rsqrt3A : vector<1024xf32> to vector<1024x1xf32>
    %mul3A = vector.broadcast %broadcast_in_dim3A : vector<1024x1xf32> to vector<1024x128xf32>
    %mul3A_17 = arith.mulf %dot_general3A_5, %mul3A : vector<1024x128xf32>
    %swap3A = arith.constant 0 : index
    %swap3A_18 = arith.constant 0 : index
    %swap3A_19 = vector.load %arg5[%swap3A, %swap3A_18] : memref<1024x128xf32, #tpu.memory_space<vmem>>, vector<1024x128xf32>
    tpu.vector_store %arg5[%swap3A, %swap3A_18], %mul3A_17 {strides = array<i32>} : memref<1024x128xf32, #tpu.memory_space<vmem>>, vector<1024x128xf32>,
    %div3A = arith.constant 1.000000e+00 : f32
    %div3A_20 = vector.broadcast %div3A : f32 to vector<1024xf32>
    %div3A_21 = arith.divf %div3A_20, %add3A_16 : vector<1024xf32>
    %broadcast_in_dim3A_22 = vector.shape_cast %div3A_21 : vector<1024xf32> to vector<1024x1xf32>
    %mul3A_23 = vector.broadcast %broadcast_in_dim3A_22 : vector<1024x1xf32> to vector<1024x128xf32>
    %mul3A_24 = arith.mulf %dot_general3A_5, %mul3A_23 : vector<1024x128xf32>
    %get3A_25 = arith.constant 0 : index
    %get3A_26 = arith.constant 0 : index
    %get3A_27 = vector.load %arg3[%get3A_25, %get3A_26] : memref<1x128xf32, #tpu.memory_space<vmem>>, vector<1x128xf32>
    %add3A_28 = vector.broadcast %get3A_27 : vector<1x128xf32> to vector<1024x128xf32>
    %add3A_29 = arith.addf %mul3A_24, %add3A_28 : vector<1024x128xf32>
    %swap3A_30 = arith.constant 0 : index
    %swap3A_31 = arith.constant 0 : index
    %swap3A_32 = vector.load %arg6[%swap3A_30, %swap3A_31] : memref<1024x128xf32, #tpu.memory_space<vmem>>, vector<1024x128xf32>
    tpu.vector_store %arg6[%swap3A_30, %swap3A_31], %add3A_29 {strides = array<i32>} : memref<1024x128xf32, #tpu.memory_space<vmem>>, vector<1024x128xf32>,
    return
  }
  func.func @transform_0(%arg0: i32) -> (i32, i32) {
    %c0_i32 = arith.constant 0 : i32
    %c0_i32_0 = arith.constant 0 : i32
    return %arg0, %c0_i32 : i32, i32
  }
  func.func @transform_1(%arg0: i32) -> (i32, i32) {
    %c0_i32 = arith.constant 0 : i32
    %c0_i32_0 = arith.constant 0 : i32
    %c0_i32_1 = arith.constant 0 : i32
    return %c0_i32, %c0_i32_0 : i32, i32
  }
  func.func @transform_2(%arg0: i32) -> (i32, i32) {
    %c0_i32 = arith.constant 0 : i32
    %c0_i32_0 = arith.constant 0 : i32
    %c0_i32_1 = arith.constant 0 : i32
    return %c0_i32, %c0_i32_0 : i32, i32
  }
  func.func @transform_3(%arg0: i32) -> (i32, i32) {
    %c0_i32 = arith.constant 0 : i32
    %c0_i32_0 = arith.constant 0 : i32
    return %c0_i32, %arg0 : i32, i32
  }
  func.func @transform_4(%arg0: i32) -> (i32, i32) {
    %c0_i32 = arith.constant 0 : i32
    %c0_i32_0 = arith.constant 0 : i32
    return %arg0, %c0_i32 : i32, i32
  }
  func.func @transform_5(%arg0: i32) -> (i32, i32) {
    %c0_i32 = arith.constant 0 : i32
    %c0_i32_0 = arith.constant 0 : i32
    return %arg0, %c0_i32 : i32, i32
  }
}

</mosaic_0001>

<sc_bundles>
// kernel: kernel.6.cloned.1.call-start
scs
__scs_entry_jumppad:
0x0: {  	(pc) =	sbr.rel $0x88, $3  }
0x1: {  	(tag) =	ssettag $0x0;
	lr =	simm.s32 $0x1  }
0x2: {  	[smem:$0x3F9D] =	sst lr;
	_ =	strace $0xD0000000  }
0x3: {  	_ = 	snop  }
0x4: {  	_ = 	snop  }
0x5: {  	_ = 	snop  }
0x6: {  	_ = 	snop  }
0x7: {  	_ = 	snop  }
__scs_overlays_trampoline_lowered:
0x8: {  	[smem:$0x3FAC] =	sst s0  }
0x9: {  	[smem:$0x3FAD] =	sst s1  }
0xa: {  	[smem:$0x3FAE] =	sst s2  }
0xb: {  	[smem:$0x3FAF] =	sst s3  }
0xc: {  	[smem:$0x3FB0] =	sst s4  }
0xd: {  	[smem:$0x3FB1] =	sst s5  }
0xe: {  	[smem:$0x3FB2] =	sst s6  }
0xf: {  	[smem:$0x3FB3] =	sst s7  }
0x10: {  	[smem:$0x3FB4] =	sst s8  }
0x11: {  	[smem:$0x3FB5] =	sst s9;
	s0 =	simm.s32 @!p0 $0x0  }
0x12: {  	s1 =	sld [smem:$0x3F9B];
	s0 =	simm.s32 @p0 $0x1  }
0x13: {  	[smem:$0x3FB6] =	sst s0;
	s0 =	simm.s32 @!p1 $0x0  }
0x14: {  	s2 =	sld [smem:$0x3F9A];
	s0 =	simm.s32 @p1 $0x1  }
0x15: {  	[smem:$0x3FB7] =	sst s0;
	s0 =	simm.s32 @!p2 $0x0  }
0x16: {  	s3 =	sld [smem:$0x3FDB];
	s0 =	simm.s32 @p2 $0x1  }
0x17: {  	s4 =	simm.s32 $0x1BF5;
	[smem:$0x3FB9] =	sst s0  }
0x18: {  	s0 =	sld [smem:$0x3F9C];
	_ =	swait.ge [sflag:s4], $0x0  }
0x19: {  	s7 =	sld [smem:$0x3F9D]  }
0x1a: {  	s8 =	sadd.s32 $0xFFFFE003, lr  }
0x1b: {  	s9 =	sadd.s32 $0xFFFFFEF7, lr;
	s5 =	simm.s32 $0xFFFFFFFF;
	p2 =	slt.u32 s8, $0xFFFFF086  }
0x1c: {  	p1 =	slt.u32 s9, $0xF7A;
	s5 =	simm.s32 @!p2 $0x0  }
0x1d: {  	s5 =	simm.s32 @p1 $0x1;
	p0 =	seq.s32 s7, s2  }
0x1e: {  	s7 =	smul.u32 @!p0 $0xF7A, s2;
	p2 =	seq.s32 @!p0 s5, $0x0  }
0x1f: {  	s9 =	smul.u32 $0xF7A, s1;
	s8 =	simm.s32 @!p0 $0x1BF5;
	p2 =	por !p2, p0  }
0x20: {  	[sflag:s8] =	ssyncset.s32 @!p0 $0xFFFFF086;
	s6 =	sadd.s32 @!p0 s3, s7;
	s7 =	simm.s32 @!p0 $0x108  }
0x21: {  	s3 =	sadd.s32 s3, s9;
	s6 =	sadd.s32 @!p0 $0x88, s6;
	s7 =	simm.s32 @p2 $0x1082  }
0x22: {  	[simem:s7], [sflag:s8] =	dma.local @!p0 [hbm:s6], $0xF7A  }
0x23: {  	s9 =	sor.u32 $0xD0000000, s2;
	s6 =	simm.s32 $0x108;
	_ =	swait.ge @!p0 [sflag:s8], $0x0  }
0x24: {  	s3 =	sadd.s32 $0x88, s3;
	s6 =	simm.s32 @!p1 $0x1082;
	[sflag:s4] =	ssyncset.s32 $0xFFFFF086  }
0x25: {  	[simem:s6], [sflag:s4] =	dma.local [hbm:s3], $0xF7A  }
0x26: {  	[smem:$0x3F9D] =	sst s1;
	(tag) =	ssettag s2;
	_ =	strace s9  }
0x27: {  	s1 =	sld [smem:$0x3FAD]  }
0x28: {  	s2 =	sld [smem:$0x3FAE]  }
0x29: {  	s4 =	sld [smem:$0x3FB0]  }
0x2a: {  	p0 =	seq.s32 s5, $0x0;
	s5 =	sld [smem:$0x3FB1]  }
0x2b: {  	s6 =	sld [smem:$0x3FB2]  }
0x2c: {  	s7 =	sld [smem:$0x3FB3]  }
0x2d: {  	s3 =	simm.s32 $0x108;
	s8 =	sld [smem:$0x3FB4]  }
0x2e: {  	s3 =	simm.s32 @!p0 $0x1082;
	s9 =	sld [smem:$0x3FB5]  }
0x2f: {  	lr =	sadd.s32 s0, s3;
	s0 =	sld [smem:$0x3FAC]  }
0x30: {  	s3 =	sld [smem:$0x3FAF]  }
0x31: {  	[smem:$0x3FB8] =	sst s10  }
0x32: {  	s10 =	sld [smem:$0x3FB6];
	_ =	sdelay $0x3  }
0x33: {  	p0 =	seq.s32 s10, $0x1;
	s10 =	sld [smem:$0x3FB8];
	_ =	sdelay $0x3  }
0x34: {  	[smem:$0x3FB8] =	sst s10  }
0x35: {  	s10 =	sld [smem:$0x3FB7];
	_ =	sdelay $0x3  }
0x36: {  	p1 =	seq.s32 s10, $0x1;
	s10 =	sld [smem:$0x3FB8];
	_ =	sdelay $0x3  }
0x37: {  	[smem:$0x3FB8] =	sst s10  }
0x38: {  	s10 =	sld [smem:$0x3FB9]  }
0x39: {  	_ = 	snop;
	(pc) =	sbr.ind lr, $3  }
0x3a: {  	_ = 	snop  }
0x3b: {  	_ = 	snop  }
0x3c: {  	p2 =	seq.s32 s10, $0x1;
	s10 =	sld [smem:$0x3FB8]  }
0x3d: {  	_ =	shalt  }
0x3e: {  	_ =	shalt  }
0x3f: {  	_ =	shalt  }
0x40: {  	_ =	shalt  }
0x41: {  	_ =	shalt  }
0x42: {  	_ =	shalt  }
0x43: {  	_ =	shalt  }
0x44: {  	_ =	shalt  }
0x45: {  	_ =	shalt  }
0x46: {  	_ =	shalt  }
0x47: {  	_ =	shalt  }
0x48: {  	_ =	shalt  }
0x49: {  	_ =	shalt  }
0x4a: {  	_ =	shalt  }
0x4b: {  	_ =	shalt  }
0x4c: {  	_ =	shalt  }
0x4d: {  	_ =	shalt  }
0x4e: {  	_ =	shalt  }
0x4f: {  	_ =	shalt  }
0x50: {  	_ =	shalt  }
0x51: {  	_ =	shalt  }
0x52: {  	_ =	shalt  }
0x53: {  	_ =	shalt  }
0x54: {  	_ =	shalt  }
0x55: {  	_ =	shalt  }
0x56: {  	_ =	shalt  }
0x57: {  	_ =	shalt  }
0x58: {  	_ =	shalt  }
0x59: {  	_ =	shalt  }
0x5a: {  	_ =	shalt  }
0x5b: {  	_ =	shalt  }
0x5c: {  	_ =	shalt  }
0x5d: {  	_ =	shalt  }
0x5e: {  	_ =	shalt  }
0x5f: {  	_ =	shalt  }
0x60: {  	_ =	shalt  }
0x61: {  	_ =	shalt  }
0x62: {  	_ =	shalt  }
0x63: {  	_ =	shalt  }
0x64: {  	_ =	shalt  }
0x65: {  	_ =	shalt  }
0x66: {  	_ =	shalt  }
0x67: {  	_ =	shalt  }
0x68: {  	_ =	shalt  }
0x69: {  	_ =	shalt  }
0x6a: {  	_ =	shalt  }
0x6b: {  	_ =	shalt  }
0x6c: {  	_ =	shalt  }
0x6d: {  	_ =	shalt  }
0x6e: {  	_ =	shalt  }
0x6f: {  	_ =	shalt  }
0x70: {  	_ =	shalt  }
0x71: {  	_ =	shalt  }
0x72: {  	_ =	shalt  }
0x73: {  	_ =	shalt  }
0x74: {  	_ =	shalt  }
0x75: {  	_ =	shalt  }
0x76: {  	_ =	shalt  }
0x77: {  	_ =	shalt  }
0x78: {  	_ =	shalt  }
0x79: {  	_ =	shalt  }
0x7a: {  	_ =	shalt  }
0x7b: {  	_ =	shalt  }
0x7c: {  	_ =	shalt  }
0x7d: {  	_ =	shalt  }
0x7e: {  	_ =	shalt  }
0x7f: {  	_ =	shalt  }
0x80: {  	_ =	shalt  }
0x81: {  	_ =	shalt  }
0x82: {  	_ =	shalt  }
0x83: {  	_ =	shalt  }
0x84: {  	_ =	shalt  }
0x85: {  	_ =	shalt  }
0x86: {  	_ =	shalt  }
0x87: {  	_ =	shalt  }
.Lfunc_end0:
.L_simem_size_0:
called_computation_lowered:
.L_overlay_start_0:
0x88: {  	s2 =	sld [smem:$0x3FD9]  }
0x89: {  	s3 =	sld [smem:$0x3FFE];
	_ =	sdelay $0x1  }
0x8a: {  	s1 =	srdreg.scid  }
0x8b: {  	s0 =	sand.u32 $0x1, s1  }
0x8c: {  	s17 =	sshll.u32 s0, $0xA;
	s2 =	sadd.s32 s3, s2  }
0x8d: {  	s2 =	sadd.s32 s2, s17  }
0x8e: {  	[smem:$0x3FC4] =	sst s2  }
0x8f: {  	_ = 	snop  }
0x90: {  	s2 =	sld [smem:$0x3FD0];
	(tm) =	ssettm $0x1  }
0x91: {  	s18 =	sld [smem:$0x3FFB];
	_ =	sdelay $0x3  }
0x92: {  	_ =	strace s18  }
0x93: {  	s3 =	sld [smem:$0x3FFC];
	_ =	sdelay $0x3  }
0x94: {  	_ =	strace s3  }
0x95: {  	s3 =	sld [smem:$0x3FFD];
	_ =	sdelay $0x3  }
0x96: {  	_ =	strace s3  }
0x97: {  	_ =	strace $0x8FFFFFFF  }
0x98: {  	s19 =	sld [smem:$0x3FDB];
	_ =	sdelay $0x1  }
0x99: {  	s4 =	simm.s32 $_scs_section_size  }
0x9a: {  	s5 =	simm.s32 $_size__tile_overlayer_lowered;
	s6 =	simm.s32 $_tile_overlayer_lowered  }
0x9b: {  	s22 =	simm.s32 $0x1BFF;
	s21 =	sshll.u32 s6, $0x1;
	s3 =	sadd.s32 s4, s19  }
0x9c: {  	s7 =	simm.s32 $0x0;
	s20 =	sshll.u32 s5, $0x1;
	s5 =	sadd.s32 s21, s3  }
0x9d: {  	[timem:s7], [sflag:s22] =	dma.local [hbm:s5], s20  }
0x9e: {  	_ =	swait.ge [sflag:s22], s20  }
0x9f: {  	s4 =	ssub.s32 $0x0, s20;
	[sflag:s22] =	ssyncset.done $0x0  }
0xa0: {  	[sflag:s22] =	ssyncadd.s32 s4;
	_ =	sdelay $0x1  }
0xa1: {  	s23 =	simm.s32 $0x1B8B  }
0xa2: {  	_ =	swait.ge [sflag:s23], $0x1  }
0xa3: {  	[sflag:s23] =	ssyncset.done $0x0  }
0xa4: {  	s25 =	simm.s32 $0x1B8E;
	s24 =	sld [smem:$0x3FFE];
	[sflag:s23] =	ssyncadd.s32 $0xFFFFFFFF  }
0xa5: {  	s26 =	simm.s32 $execute0_lowered;
	[smem:$0x3FD2] =	sst s25  }
0xa6: {  	s5 =	sshll.u32 s26, $0x1;
	_ =	strace $0x80000046;
	[dreg:$0x1] =	wrdreg $0xFFFFFFFF  }
0xa7: {  	s28 =	simm.s32 $_size_execute0_lowered;
	s3 =	sadd.s32 s3, s5;
	[dreg:$0x0] =	wrdreg $0x0  }
0xa8: {  	s5 =	sshll.u32 s28, $0x1;
	[dreg:$0x2] =	wrdreg s3  }
0xa9: {  	[dreg:$0x3] =	wrdreg s5  }
0xaa: {  	[dreg:$0x4] =	wrdreg $0xC0  }
0xab: {  	_ =	task [dreg:s7], $0x5FFFF  }
0xac: {  	[dreg:$0x1] =	wrdreg $0xFFFFFFFF  }
0xad: {  	[dreg:$0x0] =	wrdreg $0x60  }
0xae: {  	[dreg:$0x2] =	wrdreg s2  }
0xaf: {  	[dreg:$0x3] =	wrdreg s24  }
0xb0: {  	[dreg:$0x4] =	wrdreg $0x43000  }
0xb1: {  	[dreg:$0x5] =	wrdreg $0x9  }
0xb2: {  	_ =	task.clear_ibuf [dreg:s7], $0x6FFFF;
	_ =	strace $0x90000046  }
0xb3: {  	s29 =	simm.s32 $0x9;
	_ =	strace $0x80000048  }
0xb4: {  	_ =	swait.ge [sflag:s29], $0x1  }
0xb5: {  	[sflag:s29] =	ssyncadd.s32 $0xFFFFFFFF  }
0xb6: {  	_ =	strace $0x90000048  }
0xb7: {  	_ =	sfence  }
0xb8: {  	s30 =	sld [smem:$0x0];
	_ =	sdelay $0x2  }
0xb9: {  	s31 =	sshll.u32 s1, $0xD;
	s1 =	sshrl.u32 s1, $0x2  }
0xba: {  	s3 =	sand.u32 $0x4000, s31;
	s1 =	sadd.s32 s1, s30  }
0xbb: {  	s0 =	sor.u32 s3, s0;
	s1 =	sshll.u32 s1, $0x11  }
0xbc: {  	s0 =	sor.u32 s1, s0  }
0xbd: {  	s0 =	sadd.s32 $0x8F2B, s0  }
0xbe: {  	[sflag:s0] =	ssyncadd.remote.s32 $0x1  }
0xbf: {  	_ =	sfence.sel $0xFFFF  }
0xc0: {  	[dreg:$0x0] =	wrdreg $0xFFFFFFFF;
	(pc) =	sbr.abs _section_cstart, $3  }
0xc1: {  	[dreg:$0x1] =	wrdreg $0xFFFFFFFF  }
0xc2: {  	_ =	task.clear_ibuf [dreg:s7], $0x2FFFF;
	_ =	strace $0x9FFFFFFF  }
0xc3: {  	(tm) =	ssettm $0x7FFFFFFF  }
tec
execute0_lowered:
.L_overlay_start_1:
0x0: {  	(tag) =	ssettag $0x1  }
0x1: {  	s4 =	rddreg [dreg:$0x0]  }
0x2: {  	s5 =	rddreg [dreg:$0x1]  }
0x3: {  	s2 =	rddreg [dreg:$0x2]  }
0x4: {  	s0 =	rddreg [dreg:$0x3]  }
0x5: {  	s6 =	srdreg.scid;
	s1 =	stileid.u32;
	s3 =	simm.s32 $0x0  }
0x6: {  	s11 =	simm.s32 $0x4000;
	s14 =	simm.s32 $0x20;
	s15 =	simm.s32 $0x10  }
0x7: {  	s16 =	simm.s32 $0x0;
	s6 =	sand.u32 $0x1, s6;
	s7 =	smul.u32 $0x500, s1  }
0x8: {  	[smem:$0x7FF] =	sst s3;
	s9 =	smul.u32 $0xA00, s1;
	s10 =	sshll.u32 s1, $0xC  }
0x9: {  	s12 =	sshll.u32 s1, $0x6;
	s8 =	sshll.u32 s6, $0x7;
	_ =	strace $0x80000047  }
0xa: {  	s30 =	ssub.s32 $0x2, s6;
	s6 =	sshll.u32 s6, $0xB;
	s12 =	sor.u32 $0x1C01, s12  }
0xb: {  	s7 =	sor.u32 s8, s7;
	s31 =	sshrl.u32 s30, $0x1;
	s9 =	sshrl.u32 s9, $0x2  }
0xc: {  	s6 =	sadd.s32 s4, s6;
	s7 =	sshrl.u32 s7, $0x3;
	s8 =	ssub.s32 s30, s31  }
0xd: {  	s4 =	sadd.s32 s9, s2;
	s9 =	simm.s32 $0x1;
	s7 =	sadd.s32 s7, s5  }
0xe: {  	s5 =	sadd.s32 s10, s6;
	s10 =	simm.s32 $0x50;
	s13 =	sshrl.u32 s4, $0x3  }
0xf: {  	v0 =	vimm.f32 $0.0e+00;
	v1 =	vimm.f32 $1.000000000e+00;
	s6 =	sadd.s32 $0xB600, s7;
	s7 =	smax.u32 s8, $0x1;
	s8 =	simm.s32 $0x4080  }
.LBB2_1:
0x10: {  	[tilespmem:$0x4080] =	vst v0  }
0x11: {  	[tilespmem:$0x4090] =	vst v0  }
0x12: {  	[tilespmem:$0x40A0] =	vst v0  }
0x13: {  	[tilespmem:$0x40B0] =	vst v0  }
0x14: {  	[tilespmem:$0x40C0] =	vst v0  }
0x15: {  	[tilespmem:$0x40D0] =	vst v0  }
0x16: {  	[tilespmem:$0x40E0] =	vst v0  }
0x17: {  	[tilespmem:$0x40F0] =	vst v0  }
0x18: {  	[tilespmem:$0x4100] =	vst v0  }
0x19: {  	[tilespmem:$0x4110] =	vst v0  }
0x1a: {  	[tilespmem:$0x4120] =	vst v0  }
0x1b: {  	[tilespmem:$0x4130] =	vst v0  }
0x1c: {  	[tilespmem:$0x4140] =	vst v0  }
0x1d: {  	[tilespmem:$0x4150] =	vst v0  }
0x1e: {  	[tilespmem:$0x4160] =	vst v0  }
0x1f: {  	[tilespmem:$0x4170] =	vst v0  }
0x20: {  	[tilespmem:$0x4180] =	vst v0  }
0x21: {  	[tilespmem:$0x4190] =	vst v0  }
0x22: {  	[tilespmem:$0x41A0] =	vst v0  }
0x23: {  	[tilespmem:$0x41B0] =	vst v0  }
0x24: {  	[tilespmem:$0x41C0] =	vst v0  }
0x25: {  	[tilespmem:$0x41D0] =	vst v0  }
0x26: {  	[tilespmem:$0x41E0] =	vst v0  }
0x27: {  	[tilespmem:$0x41F0] =	vst v0  }
0x28: {  	[tilespmem:$0x4200] =	vst v0  }
0x29: {  	[tilespmem:$0x4210] =	vst v0  }
0x2a: {  	[tilespmem:$0x4220] =	vst v0  }
0x2b: {  	[tilespmem:$0x4230] =	vst v0  }
0x2c: {  	[tilespmem:$0x4240] =	vst v0  }
0x2d: {  	[tilespmem:$0x4250] =	vst v0  }
0x2e: {  	[tilespmem:$0x4260] =	vst v0  }
0x2f: {  	[tilespmem:$0x4270] =	vst v0  }
0x30: {  	[tilespmem:$0x4280] =	vst v0  }
0x31: {  	[tilespmem:$0x4290] =	vst v0  }
0x32: {  	[tilespmem:$0x42A0] =	vst v0  }
0x33: {  	[tilespmem:$0x42B0] =	vst v0  }
0x34: {  	[tilespmem:$0x42C0] =	vst v0  }
0x35: {  	[tilespmem:$0x42D0] =	vst v0  }
0x36: {  	[tilespmem:$0x42E0] =	vst v0  }
0x37: {  	[tilespmem:$0x42F0] =	vst v0  }
0x38: {  	[tilespmem:$0x4000] =	vst v1  }
0x39: {  	[tilespmem:$0x4010] =	vst v1  }
0x3a: {  	[tilespmem:$0x4020] =	vst v1  }
0x3b: {  	[tilespmem:$0x4030] =	vst v1  }
0x3c: {  	[tilespmem:$0x4040] =	vst v1  }
0x3d: {  	[spmem:s4] =	stream.linear.scatter [tilespmem:s8], [sflag:$0x1], $0x280, $0x38;
	[tilespmem:$0x4580] =	vst v63  }
0x3e: {  	_ =	swait.ge [sflag:s9], $0x280  }
0x3f: {  	[sflag:s9] =	ssyncset.done $0x0  }
0x40: {  	[sflag:s9] =	ssyncadd.s32 $0xFFFFFD80  }
0x41: {  	[bflag:$0x0] =	sbarrier.arrive $0xFFFF  }
0x42: {  	[tilespmem:s3], [sflag:$0x1] =	stream.linear.gather [hbm4b:s5+s3], $0x4000, $0x38;
	[tilespmem:$0x4580] =	vst v63  }
0x43: {  	_ =	swait.ge [sflag:s9], $0x4000  }
0x44: {  	[sflag:s9] =	ssyncset.done $0x0  }
0x45: {  	s17 =	simm.s32 $0x0;
	[sflag:s9] =	ssyncadd.s32 $0xFFFFC000  }
0x46: {  	[spmem:s2] =	stream.indirect.scatter.add.f32 [tilespmem:s11], [sflag:$0x1], $0x1, s17, s10, $0xb8;
	[tilespmem:$0x4580] =	vst v63  }
0x47: {  	_ =	swait.ge [sflag:s9], $0x50  }
0x48: {  	s17 =	simm.s32 $0x200;
	[sflag:s9] =	ssyncset.done $0x0  }
.LBB2_2:
0x49: {  	s18 =	sshra.s32 s17, $0x2;
	[sflag:s9] =	ssyncadd.s32 $0xFFFFFFB0;
	p0 =	sne.s32 s17, $0xFE00  }
0x4a: {  	[spmem:s2] =	stream.indirect.scatter.add.f32 [tilespmem:s11], [sflag:$0x1], $0x1, s18, s10, $0xb8;
	[tilespmem:$0x4580] =	vst v63  }
.Ltmp0:
0x4b: {  	_ = 	snop;
	(pc) =	sbr.rel @p0 .LBB2_2-.Ltmp0, $4  }
0x4c: {  	_ = 	snop  }
0x4d: {  	s17 =	sadd.s32 $0x200, s17  }
0x4e: {  	_ =	swait.ge [sflag:s9], $0x50  }
0x4f: {  	[sflag:s9] =	ssyncset.done $0x0  }
0x50: {  	s16 =	sadd.s32 $0x1, s16  }
0x51: {  	[sflag:s9] =	ssyncadd.s32 $0xFFFFFFB0;
	p0 =	sne.s32 s16, s7  }
.Ltmp1:
0x52: {  	[bflag:$0x0] =	sbarrier.arrive $0xFFFF;
	(pc) =	sbr.rel @p0 .LBB2_1-.Ltmp1, $4  }
0x53: {  	[hbm:s6@s14], [sflag:s12] =	dma.strided [spmem:s13@s15], $0x50, s9, $0x10   }
0x54: {  	_ =	swait.ge [sflag:s9], $0x50  }
0x55: {  	[sflag:s9] =	ssyncset.done $0x0  }
0x56: {  	[sflag:s9] =	ssyncadd.s32 $0xFFFFFFB0  }
0x57: {  	_ =	sfence.sel $0x180000  }
0x58: {  	[bflag:$0x0] =	sbarrier.arrive $0xFFFF  }
0x59: {  	p0 =	sne.s32 s1, $0x0;
	_ =	strace $0x90000047  }
0x5a: {  	s0 =	sadd.s32 @!p0 $0x100000, s0;
	[bflag:$0x2] =	sbarrier.arrive $0xFFFF  }
0x5b: {  	[sflag:s0] =	ssyncadd.tile.s32 @!p0 $0x1;
	_ =	shalt  }
.Lfunc_end2:
_tile_overlayer_lowered:
.L_overlay_start_2:
0x5c: {  	(tag) =	ssettag $0x2  }
0x5d: {  	s0 =	rddreg [dreg:$0x0];
	s2 =	stileid.u32  }
0x5e: {  	s1 =	rddreg [dreg:$0x1];
	p0 =	sne.s32 s2, $0x0  }
0x5f: {  	s3 =	rddreg [dreg:$0x2];
	[bflag:$0x3] =	sbarrier.arrive $0xFFFF;
	s2 =	simm.s32 @!p0 $0x1C01  }
0x60: {  	[timem:s3], [sflag:s2] =	dma.local @!p0 [hbm:s0], s1  }
0x61: {  	s0 =	simm.s32 @!p0 $0x1  }
0x62: {  	_ =	swait.ge @!p0 [sflag:s0], s1  }
0x63: {  	s1 =	ssub.s32 @!p0 $0x0, s1;
	[sflag:s0] =	ssyncset.done @!p0 $0x0  }
0x64: {  	[sflag:s0] =	ssyncadd.s32 @!p0 s1  }
0x65: {  	[bflag:$0x3] =	sbarrier.arrive $0xFFFF  }
0x66: {  	_ =	shalt  }

// kernel: kernel.9.cloned.1.call-start
scs
__scs_entry_jumppad:
0x0: {  	(pc) =	sbr.rel $0x88, $3  }
0x1: {  	(tag) =	ssettag $0x0;
	lr =	simm.s32 $0x1  }
0x2: {  	[smem:$0x3F9D] =	sst lr;
	_ =	strace $0xD0000000  }
0x3: {  	_ = 	snop  }
0x4: {  	_ = 	snop  }
0x5: {  	_ = 	snop  }
0x6: {  	_ = 	snop  }
0x7: {  	_ = 	snop  }
__scs_overlays_trampoline_lowered:
0x8: {  	[smem:$0x3FAC] =	sst s0  }
0x9: {  	[smem:$0x3FAD] =	sst s1  }
0xa: {  	[smem:$0x3FAE] =	sst s2  }
0xb: {  	[smem:$0x3FAF] =	sst s3  }
0xc: {  	[smem:$0x3FB0] =	sst s4  }
0xd: {  	[smem:$0x3FB1] =	sst s5  }
0xe: {  	[smem:$0x3FB2] =	sst s6  }
0xf: {  	[smem:$0x3FB3] =	sst s7  }
0x10: {  	[smem:$0x3FB4] =	sst s8  }
0x11: {  	[smem:$0x3FB5] =	sst s9;
	s0 =	simm.s32 @!p0 $0x0  }
0x12: {  	s1 =	sld [smem:$0x3F9B];
	s0 =	simm.s32 @p0 $0x1  }
0x13: {  	[smem:$0x3FB6] =	sst s0;
	s0 =	simm.s32 @!p1 $0x0  }
0x14: {  	s2 =	sld [smem:$0x3F9A];
	s0 =	simm.s32 @p1 $0x1  }
0x15: {  	[smem:$0x3FB7] =	sst s0;
	s0 =	simm.s32 @!p2 $0x0  }
0x16: {  	s3 =	sld [smem:$0x3FDB];
	s0 =	simm.s32 @p2 $0x1  }
0x17: {  	s4 =	simm.s32 $0x1BF5;
	[smem:$0x3FB9] =	sst s0  }
0x18: {  	s0 =	sld [smem:$0x3F9C];
	_ =	swait.ge [sflag:s4], $0x0  }
0x19: {  	s7 =	sld [smem:$0x3F9D]  }
0x1a: {  	s8 =	sadd.s32 $0xFFFFE003, lr  }
0x1b: {  	s9 =	sadd.s32 $0xFFFFFEF7, lr;
	s5 =	simm.s32 $0xFFFFFFFF;
	p2 =	slt.u32 s8, $0xFFFFF086  }
0x1c: {  	p1 =	slt.u32 s9, $0xF7A;
	s5 =	simm.s32 @!p2 $0x0  }
0x1d: {  	s5 =	simm.s32 @p1 $0x1;
	p0 =	seq.s32 s7, s2  }
0x1e: {  	s7 =	smul.u32 @!p0 $0xF7A, s2;
	p2 =	seq.s32 @!p0 s5, $0x0  }
0x1f: {  	s9 =	smul.u32 $0xF7A, s1;
	s8 =	simm.s32 @!p0 $0x1BF5;
	p2 =	por !p2, p0  }
0x20: {  	[sflag:s8] =	ssyncset.s32 @!p0 $0xFFFFF086;
	s6 =	sadd.s32 @!p0 s3, s7;
	s7 =	simm.s32 @!p0 $0x108  }
0x21: {  	s3 =	sadd.s32 s3, s9;
	s6 =	sadd.s32 @!p0 $0x88, s6;
	s7 =	simm.s32 @p2 $0x1082  }
0x22: {  	[simem:s7], [sflag:s8] =	dma.local @!p0 [hbm:s6], $0xF7A  }
0x23: {  	s9 =	sor.u32 $0xD0000000, s2;
	s6 =	simm.s32 $0x108;
	_ =	swait.ge @!p0 [sflag:s8], $0x0  }
0x24: {  	s3 =	sadd.s32 $0x88, s3;
	s6 =	simm.s32 @!p1 $0x1082;
	[sflag:s4] =	ssyncset.s32 $0xFFFFF086  }
0x25: {  	[simem:s6], [sflag:s4] =	dma.local [hbm:s3], $0xF7A  }
0x26: {  	[smem:$0x3F9D] =	sst s1;
	(tag) =	ssettag s2;
	_ =	strace s9  }
0x27: {  	s1 =	sld [smem:$0x3FAD]  }
0x28: {  	s2 =	sld [smem:$0x3FAE]  }
0x29: {  	s4 =	sld [smem:$0x3FB0]  }
0x2a: {  	p0 =	seq.s32 s5, $0x0;
	s5 =	sld [smem:$0x3FB1]  }
0x2b: {  	s6 =	sld [smem:$0x3FB2]  }
0x2c: {  	s7 =	sld [smem:$0x3FB3]  }
0x2d: {  	s3 =	simm.s32 $0x108;
	s8 =	sld [smem:$0x3FB4]  }
0x2e: {  	s3 =	simm.s32 @!p0 $0x1082;
	s9 =	sld [smem:$0x3FB5]  }
0x2f: {  	lr =	sadd.s32 s0, s3;
	s0 =	sld [smem:$0x3FAC]  }
0x30: {  	s3 =	sld [smem:$0x3FAF]  }
0x31: {  	[smem:$0x3FB8] =	sst s10  }
0x32: {  	s10 =	sld [smem:$0x3FB6];
	_ =	sdelay $0x3  }
0x33: {  	p0 =	seq.s32 s10, $0x1;
	s10 =	sld [smem:$0x3FB8];
	_ =	sdelay $0x3  }
0x34: {  	[smem:$0x3FB8] =	sst s10  }
0x35: {  	s10 =	sld [smem:$0x3FB7];
	_ =	sdelay $0x3  }
0x36: {  	p1 =	seq.s32 s10, $0x1;
	s10 =	sld [smem:$0x3FB8];
	_ =	sdelay $0x3  }
0x37: {  	[smem:$0x3FB8] =	sst s10  }
0x38: {  	s10 =	sld [smem:$0x3FB9]  }
0x39: {  	_ = 	snop;
	(pc) =	sbr.ind lr, $3  }
0x3a: {  	_ = 	snop  }
0x3b: {  	_ = 	snop  }
0x3c: {  	p2 =	seq.s32 s10, $0x1;
	s10 =	sld [smem:$0x3FB8]  }
0x3d: {  	_ =	shalt  }
0x3e: {  	_ =	shalt  }
0x3f: {  	_ =	shalt  }
0x40: {  	_ =	shalt  }
0x41: {  	_ =	shalt  }
0x42: {  	_ =	shalt  }
0x43: {  	_ =	shalt  }
0x44: {  	_ =	shalt  }
0x45: {  	_ =	shalt  }
0x46: {  	_ =	shalt  }
0x47: {  	_ =	shalt  }
0x48: {  	_ =	shalt  }
0x49: {  	_ =	shalt  }
0x4a: {  	_ =	shalt  }
0x4b: {  	_ =	shalt  }
0x4c: {  	_ =	shalt  }
0x4d: {  	_ =	shalt  }
0x4e: {  	_ =	shalt  }
0x4f: {  	_ =	shalt  }
0x50: {  	_ =	shalt  }
0x51: {  	_ =	shalt  }
0x52: {  	_ =	shalt  }
0x53: {  	_ =	shalt  }
0x54: {  	_ =	shalt  }
0x55: {  	_ =	shalt  }
0x56: {  	_ =	shalt  }
0x57: {  	_ =	shalt  }
0x58: {  	_ =	shalt  }
0x59: {  	_ =	shalt  }
0x5a: {  	_ =	shalt  }
0x5b: {  	_ =	shalt  }
0x5c: {  	_ =	shalt  }
0x5d: {  	_ =	shalt  }
0x5e: {  	_ =	shalt  }
0x5f: {  	_ =	shalt  }
0x60: {  	_ =	shalt  }
0x61: {  	_ =	shalt  }
0x62: {  	_ =	shalt  }
0x63: {  	_ =	shalt  }
0x64: {  	_ =	shalt  }
0x65: {  	_ =	shalt  }
0x66: {  	_ =	shalt  }
0x67: {  	_ =	shalt  }
0x68: {  	_ =	shalt  }
0x69: {  	_ =	shalt  }
0x6a: {  	_ =	shalt  }
0x6b: {  	_ =	shalt  }
0x6c: {  	_ =	shalt  }
0x6d: {  	_ =	shalt  }
0x6e: {  	_ =	shalt  }
0x6f: {  	_ =	shalt  }
0x70: {  	_ =	shalt  }
0x71: {  	_ =	shalt  }
0x72: {  	_ =	shalt  }
0x73: {  	_ =	shalt  }
0x74: {  	_ =	shalt  }
0x75: {  	_ =	shalt  }
0x76: {  	_ =	shalt  }
0x77: {  	_ =	shalt  }
0x78: {  	_ =	shalt  }
0x79: {  	_ =	shalt  }
0x7a: {  	_ =	shalt  }
0x7b: {  	_ =	shalt  }
0x7c: {  	_ =	shalt  }
0x7d: {  	_ =	shalt  }
0x7e: {  	_ =	shalt  }
0x7f: {  	_ =	shalt  }
0x80: {  	_ =	shalt  }
0x81: {  	_ =	shalt  }
0x82: {  	_ =	shalt  }
0x83: {  	_ =	shalt  }
0x84: {  	_ =	shalt  }
0x85: {  	_ =	shalt  }
0x86: {  	_ =	shalt  }
0x87: {  	_ =	shalt  }
.Lfunc_end0:
.L_simem_size_0:
called_computation.1_lowered:
.L_overlay_start_0:
0x88: {  	s2 =	sld [smem:$0x3FD9]  }
0x89: {  	s3 =	sld [smem:$0x3FFE];
	_ =	sdelay $0x1  }
0x8a: {  	s1 =	srdreg.scid  }
0x8b: {  	s0 =	sand.u32 $0x1, s1  }
0x8c: {  	s17 =	sshll.u32 s0, $0xA;
	s2 =	sadd.s32 s3, s2  }
0x8d: {  	s2 =	sadd.s32 s2, s17  }
0x8e: {  	[smem:$0x3FC4] =	sst s2  }
0x8f: {  	_ = 	snop  }
0x90: {  	s2 =	sld [smem:$0x3FD0];
	(tm) =	ssettm $0x1  }
0x91: {  	s18 =	sld [smem:$0x3FFB];
	_ =	sdelay $0x3  }
0x92: {  	_ =	strace s18  }
0x93: {  	s3 =	sld [smem:$0x3FFC];
	_ =	sdelay $0x3  }
0x94: {  	_ =	strace s3  }
0x95: {  	s3 =	sld [smem:$0x3FFD];
	_ =	sdelay $0x3  }
0x96: {  	_ =	strace s3  }
0x97: {  	_ =	strace $0x8FFFFFFF  }
0x98: {  	s19 =	sld [smem:$0x3FDB];
	_ =	sdelay $0x1  }
0x99: {  	s4 =	simm.s32 $_scs_section_size  }
0x9a: {  	s5 =	simm.s32 $_size__tile_overlayer_lowered;
	s6 =	simm.s32 $_tile_overlayer_lowered  }
0x9b: {  	s22 =	simm.s32 $0x1BFF;
	s21 =	sshll.u32 s6, $0x1;
	s3 =	sadd.s32 s4, s19  }
0x9c: {  	s7 =	simm.s32 $0x0;
	s20 =	sshll.u32 s5, $0x1;
	s5 =	sadd.s32 s21, s3  }
0x9d: {  	[timem:s7], [sflag:s22] =	dma.local [hbm:s5], s20  }
0x9e: {  	_ =	swait.ge [sflag:s22], s20  }
0x9f: {  	s4 =	ssub.s32 $0x0, s20;
	[sflag:s22] =	ssyncset.done $0x0  }
0xa0: {  	[sflag:s22] =	ssyncadd.s32 s4;
	_ =	sdelay $0x1  }
0xa1: {  	s23 =	simm.s32 $0x1B8B  }
0xa2: {  	_ =	swait.ge [sflag:s23], $0x1  }
0xa3: {  	[sflag:s23] =	ssyncset.done $0x0  }
0xa4: {  	s25 =	simm.s32 $0x1B8E;
	s24 =	sld [smem:$0x3FFE];
	[sflag:s23] =	ssyncadd.s32 $0xFFFFFFFF  }
0xa5: {  	s26 =	simm.s32 $execute0_lowered;
	[smem:$0x3FD2] =	sst s25  }
0xa6: {  	s5 =	sshll.u32 s26, $0x1;
	_ =	strace $0x80000049;
	[dreg:$0x1] =	wrdreg $0xFFFFFFFF  }
0xa7: {  	s28 =	simm.s32 $_size_execute0_lowered;
	s3 =	sadd.s32 s3, s5;
	[dreg:$0x0] =	wrdreg $0x0  }
0xa8: {  	s5 =	sshll.u32 s28, $0x1;
	[dreg:$0x2] =	wrdreg s3  }
0xa9: {  	[dreg:$0x3] =	wrdreg s5  }
0xaa: {  	[dreg:$0x4] =	wrdreg $0xC0  }
0xab: {  	_ =	task [dreg:s7], $0x5FFFF  }
0xac: {  	[dreg:$0x1] =	wrdreg $0xFFFFFFFF  }
0xad: {  	[dreg:$0x0] =	wrdreg $0x60  }
0xae: {  	[dreg:$0x2] =	wrdreg s2  }
0xaf: {  	[dreg:$0x3] =	wrdreg s24  }
0xb0: {  	[dreg:$0x4] =	wrdreg $0xA0000  }
0xb1: {  	[dreg:$0x5] =	wrdreg $0x9  }
0xb2: {  	_ =	task.clear_ibuf [dreg:s7], $0x6FFFF;
	_ =	strace $0x90000049  }
0xb3: {  	s29 =	simm.s32 $0x9;
	_ =	strace $0x8000004B  }
0xb4: {  	_ =	swait.ge [sflag:s29], $0x1  }
0xb5: {  	[sflag:s29] =	ssyncadd.s32 $0xFFFFFFFF  }
0xb6: {  	_ =	strace $0x9000004B  }
0xb7: {  	_ =	sfence  }
0xb8: {  	s30 =	sld [smem:$0x0];
	_ =	sdelay $0x2  }
0xb9: {  	s31 =	sshll.u32 s1, $0xD;
	s1 =	sshrl.u32 s1, $0x2  }
0xba: {  	s3 =	sand.u32 $0x4000, s31;
	s1 =	sadd.s32 s1, s30  }
0xbb: {  	s0 =	sor.u32 s3, s0;
	s1 =	sshll.u32 s1, $0x11  }
0xbc: {  	s0 =	sor.u32 s1, s0  }
0xbd: {  	s0 =	sadd.s32 $0x8F2B, s0  }
0xbe: {  	[sflag:s0] =	ssyncadd.remote.s32 $0x1  }
0xbf: {  	_ =	sfence.sel $0xFFFF  }
0xc0: {  	[dreg:$0x0] =	wrdreg $0xFFFFFFFF;
	(pc) =	sbr.abs _section_cstart, $3  }
0xc1: {  	[dreg:$0x1] =	wrdreg $0xFFFFFFFF  }
0xc2: {  	_ =	task.clear_ibuf [dreg:s7], $0x2FFFF;
	_ =	strace $0x9FFFFFFF  }
0xc3: {  	(tm) =	ssettm $0x7FFFFFFF  }
tec
execute0_lowered:
.L_overlay_start_1:
0x0: {  	(tag) =	ssettag $0x1  }
0x1: {  	s1 =	rddreg [dreg:$0x0]  }
0x2: {  	s0 =	rddreg [dreg:$0x1]  }
0x3: {  	s3 =	rddreg [dreg:$0x2];
	s2 =	stileid.u32  }
0x4: {  	s5 =	srdreg.scid;
	s4 =	simm.s32 $0x0;
	s30 =	smul.u32 $0x13C00, s2  }
0x5: {  	s23 =	simm.s32 $0x50;
	s24 =	simm.s32 $0x7800;
	s7 =	smul.u32 $0x4F000, s2  }
0x6: {  	s25 =	simm.s32 $0x1;
	s26 =	simm.s32 $0x2;
	s14 =	smul.u32 $0x960, s2  }
0x7: {  	s21 =	sand.u32 $0x1, s5;
	[smem:$0x7FF] =	sst s4;
	s15 =	smul.u32 $0xA0, s2  }
0x8: {  	s17 =	sadd.s32 $0xC000, s0;
	s18 =	sadd.s32 $0x1600, s0;
	s16 =	smul.u32 $0x4B00, s2  }
0x9: {  	s6 =	smul.u32 $0x13C000, s21;
	_ =	strace $0x8000004A;
	s8 =	ssub.s32 $0x2, s21  }
0xa: {  	p0 =	seq.s32 s21, $0x0;
	s21 =	simm.s32 $0x5000;
	s9 =	sshrl.u32 s8, $0x1  }
0xb: {  	s7 =	sshrl.u32 s7, $0x2;
	s5 =	sadd.s32 s30, s3;
	s13 =	sadd.s32 s17, s14  }
0xc: {  	s14 =	sadd.s32 s18, s14;
	s19 =	sadd.s32 $0x9600, s15;
	s22 =	sshrl.u32 s16, $0x3  }
0xd: {  	s6 =	sadd.s32 s30, s6;
	s20 =	ssub.s32 s8, s9;
	s12 =	sadd.s32 s7, s3  }
0xe: {  	s15 =	sadd.s32 s17, s19;
	s16 =	sadd.s32 s18, s19;
	s31 =	sadd.s32 $0x500, s22  }
.Ltmp0:
0xf: {  	s22 =	simm.s32 $0x3;
	s6 =	sshrl.u32 s6, $0x3;
	(pc) =	sbr.rel .LBB2_1-.Ltmp0, $4  }
0x10: {  	s7 =	sadd.s32 $0x5000, s12;
	s8 =	sadd.s32 $0x7800, s12;
	s9 =	sadd.s32 $0xA000, s12  }
0x11: {  	s10 =	sadd.s32 $0xC800, s12;
	s11 =	sadd.s32 $0xF000, s12;
	s17 =	sadd.s32 s17, s31  }
0x12: {  	s18 =	sadd.s32 s18, s31;
	s20 =	smax.u32 s20, $0x1;
	s0 =	sadd.s32 s6, s0  }
0x13: {  	v0 =	vimm.f32 $0.0e+00;
	s6 =	sadd.s32 $0x2800, s12;
	s12 =	sadd.s32 $0x11800, s12;
	s19 =	sadd.s32 $0x16000, s0  }
.LBB2_11:
0x14: {  	s0 =	sshra.s32 s0, $0x2;
	[sflag:s22] =	ssyncadd.s32 $0xFFFFD800  }
0x15: {  	[tilespmem:s21], [sflag:$0x1] =	stream.indirect.gather [hbm4b:s1+s23], $0x80, s0, s23, $0xb8;
	[tilespmem:$0x1DC00] =	vst v63  }
0x16: {  	s28 =	sadd.s32 $0x50, s0  }
0x17: {  	[tilespmem:s24], [sflag:$0x2] =	stream.indirect.gather [hbm4b:s1+s23], $0x80, s28, s23, $0xb8;
	[tilespmem:$0x1DC00] =	vst v63  }
0x18: {  	_ =	swait.ge [sflag:s25], $0x2800  }
0x19: {  	[sflag:s25] =	ssyncset.done $0x0  }
0x1a: {  	s31 =	sadd.s32 $0x2800, s0;
	[sflag:s25] =	ssyncadd.s32 $0xFFFFD800  }
0x1b: {  	[spmem:s3] =	stream.indirect.scatter.add.f32 [tilespmem:s21], [sflag:$0x3], $0x80, s31, s23, $0xb8;
	[tilespmem:$0x1DC00] =	vst v63  }
0x1c: {  	_ =	swait.ge [sflag:s22], $0x2800  }
0x1d: {  	[sflag:s22] =	ssyncset.done $0x0  }
0x1e: {  	[sflag:s22] =	ssyncadd.s32 $0xFFFFD800  }
0x1f: {  	_ =	swait.ge [sflag:s26], $0x2800  }
0x20: {  	[sflag:s26] =	ssyncset.done $0x0  }
0x21: {  	s0 =	sadd.s32 $0x2850, s0;
	[sflag:s26] =	ssyncadd.s32 $0xFFFFD800  }
0x22: {  	[spmem:s3] =	stream.indirect.scatter.add.f32 [tilespmem:s24], [sflag:$0x3], $0x80, s0, s23, $0xb8;
	[tilespmem:$0x1DC00] =	vst v63  }
0x23: {  	_ =	swait.ge [sflag:s22], $0x2800  }
0x24: {  	[sflag:s22] =	ssyncset.done $0x0  }
0x25: {  	[sflag:s22] =	ssyncadd.s32 $0xFFFFD800  }
.LBB2_12:
0x26: {  	s4 =	sadd.s32 $0x1, s4  }
0x27: {  	s0 =	sshll.u32 s2, $0x6;
	[bflag:$0x0] =	sbarrier.arrive $0xFFFF;
	p1 =	sne.s32 s4, s20  }
.Ltmp1:
0x28: {  	s28 =	sshrl.u32 s5, $0x3;
	s0 =	sor.u32 $0x1C03, s0;
	(pc) =	sbr.rel @!p1 .LBB2_13-.Ltmp1, $4  }
0x29: {  	[hbm:s19], [sflag:s0] =	dma.local [spmem:s28], $0x2780  }
0x2a: {  	_ =	swait.ge [sflag:s22], $0x2780  }
0x2b: {  	[sflag:s22] =	ssyncset.done $0x0  }
0x2c: {  	[sflag:s22] =	ssyncadd.s32 $0xFFFFD880  }
.LBB2_1:
0x2d: {  	s0 =	simm.s32 $0x0;
	s29 =	simm.s32 $0x200  }
.LBB2_2:
0x2e: {  	p1 =	sne.s32 s29, $0x9E00;
	[tilespmem:s0+$0x5070] =	vst v0  }
0x2f: {  	[tilespmem:s0+$0x5000] =	vst v0  }
0x30: {  	[tilespmem:s0+$0x5010] =	vst v0  }
.Ltmp2:
0x31: {  	[tilespmem:s0+$0x5020] =	vst v0;
	(pc) =	sbr.rel @p1 .LBB2_2-.Ltmp2, $4  }
0x32: {  	[tilespmem:s0+$0x5030] =	vst v0  }
0x33: {  	[tilespmem:s0+$0x5040] =	vst v0  }
0x34: {  	[tilespmem:s0+$0x5050] =	vst v0  }
0x35: {  	[tilespmem:s0+$0x5060] =	vst v0;
	s0 =	sshra.s32 s29, $0x2;
	s29 =	sadd.s32 $0x200, s29  }
0x36: {  	[tilespmem:s0+$0x5070] =	vst v0  }
0x37: {  	[tilespmem:s0+$0x5000] =	vst v0  }
0x38: {  	[tilespmem:s0+$0x5010] =	vst v0  }
0x39: {  	[tilespmem:s0+$0x5020] =	vst v0  }
0x3a: {  	[tilespmem:s0+$0x5030] =	vst v0  }
0x3b: {  	[tilespmem:s0+$0x5040] =	vst v0  }
0x3c: {  	[tilespmem:s0+$0x5050] =	vst v0  }
0x3d: {  	[tilespmem:s0+$0x5060] =	vst v0  }
0x3e: {  	[spmem:s5] =	stream.linear.scatter [tilespmem:s21], [sflag:$0x3], $0x2800, $0x38;
	[tilespmem:$0x1DC00] =	vst v63  }
0x3f: {  	_ =	swait.ge [sflag:s22], $0x2800  }
0x40: {  	[sflag:s22] =	ssyncset.done $0x0  }
0x41: {  	[sflag:s22] =	ssyncadd.s32 $0xFFFFD800  }
0x42: {  	[spmem:s6] =	stream.linear.scatter [tilespmem:s21], [sflag:$0x3], $0x2800, $0x38;
	[tilespmem:$0x1DC00] =	vst v63  }
0x43: {  	_ =	swait.ge [sflag:s22], $0x2800  }
0x44: {  	[sflag:s22] =	ssyncset.done $0x0  }
0x45: {  	[sflag:s22] =	ssyncadd.s32 $0xFFFFD800  }
0x46: {  	[spmem:s7] =	stream.linear.scatter [tilespmem:s21], [sflag:$0x3], $0x2800, $0x38;
	[tilespmem:$0x1DC00] =	vst v63  }
0x47: {  	_ =	swait.ge [sflag:s22], $0x2800  }
0x48: {  	[sflag:s22] =	ssyncset.done $0x0  }
0x49: {  	[sflag:s22] =	ssyncadd.s32 $0xFFFFD800  }
0x4a: {  	[spmem:s8] =	stream.linear.scatter [tilespmem:s21], [sflag:$0x3], $0x2800, $0x38;
	[tilespmem:$0x1DC00] =	vst v63  }
0x4b: {  	_ =	swait.ge [sflag:s22], $0x2800  }
0x4c: {  	[sflag:s22] =	ssyncset.done $0x0  }
0x4d: {  	[sflag:s22] =	ssyncadd.s32 $0xFFFFD800  }
0x4e: {  	[spmem:s9] =	stream.linear.scatter [tilespmem:s21], [sflag:$0x3], $0x2800, $0x38;
	[tilespmem:$0x1DC00] =	vst v63  }
0x4f: {  	_ =	swait.ge [sflag:s22], $0x2800  }
0x50: {  	[sflag:s22] =	ssyncset.done $0x0  }
0x51: {  	[sflag:s22] =	ssyncadd.s32 $0xFFFFD800  }
0x52: {  	[spmem:s10] =	stream.linear.scatter [tilespmem:s21], [sflag:$0x3], $0x2800, $0x38;
	[tilespmem:$0x1DC00] =	vst v63  }
0x53: {  	_ =	swait.ge [sflag:s22], $0x2800  }
0x54: {  	[sflag:s22] =	ssyncset.done $0x0  }
0x55: {  	[sflag:s22] =	ssyncadd.s32 $0xFFFFD800  }
0x56: {  	[spmem:s11] =	stream.linear.scatter [tilespmem:s21], [sflag:$0x3], $0x2800, $0x38;
	[tilespmem:$0x1DC00] =	vst v63  }
0x57: {  	_ =	swait.ge [sflag:s22], $0x2800  }
0x58: {  	[sflag:s22] =	ssyncset.done $0x0  }
0x59: {  	[sflag:s22] =	ssyncadd.s32 $0xFFFFD800  }
0x5a: {  	[spmem:s12] =	stream.linear.scatter [tilespmem:s21], [sflag:$0x3], $0x2400, $0x38;
	[tilespmem:$0x1DC00] =	vst v63  }
0x5b: {  	_ =	swait.ge [sflag:s22], $0x2400  }
0x5c: {  	[sflag:s22] =	ssyncset.done $0x0  }
0x5d: {  	[sflag:s22] =	ssyncadd.s32 $0xFFFFDC00  }
0x5e: {  	s0 =	simm.s32 @p0 $0x0;
	s29 =	simm.s32 @p0 $0x3;
	[bflag:$0x0] =	sbarrier.arrive $0xFFFF  }
0x5f: {  	[tilespmem:s0], [sflag:$0x3] =	stream.linear.gather @p0 [hbm4b:s15+s0], $0x500, $0x38;
	[tilespmem:$0x1DC00] =	vst v63  }
0x60: {  	_ =	swait.ge @p0 [sflag:s29], $0x500  }
0x61: {  	[sflag:s29] =	ssyncset.done @p0 $0x0  }
0x62: {  	s30 =	simm.s32 @p0 $0x2800;
	[sflag:s29] =	ssyncadd.s32 @p0 $0xFFFFFB00  }
0x63: {  	[tilespmem:s30], [sflag:$0x3] =	stream.linear.gather @p0 [hbm4b:s16+s0], $0x500, $0x38;
	[tilespmem:$0x1DC00] =	vst v63  }
0x64: {  	_ =	swait.ge @p0 [sflag:s29], $0x500  }
0x65: {  	[sflag:s29] =	ssyncset.done @p0 $0x0  }
0x66: {  	s0 =	simm.s32 @!p0 $0x0;
	[sflag:s29] =	ssyncadd.s32 @p0 $0xFFFFFB00;
	s29 =	simm.s32 @!p0 $0x3  }
0x67: {  	[tilespmem:s0], [sflag:$0x3] =	stream.linear.gather @!p0 [hbm4b:s13+s0], $0x2800, $0x38;
	[tilespmem:$0x1DC00] =	vst v63  }
0x68: {  	_ =	swait.ge @!p0 [sflag:s29], $0x2800  }
0x69: {  	[sflag:s29] =	ssyncset.done @!p0 $0x0  }
0x6a: {  	s30 =	simm.s32 @!p0 $0x2800;
	[sflag:s29] =	ssyncadd.s32 @!p0 $0xFFFFD800  }
0x6b: {  	[tilespmem:s30], [sflag:$0x3] =	stream.linear.gather @!p0 [hbm4b:s14+s0], $0x2800, $0x38;
	[tilespmem:$0x1DC00] =	vst v63  }
0x6c: {  	s0 =	simm.s32 @!p0 $0x40  }
0x6d: {  	s0 =	simm.s32 @p0 $0x8  }
0x6e: {  	p2 =	sne.s32 s0, $0x1  }
.Ltmp3:
0x6f: {  	_ = 	snop;
	(pc) =	sbr.rel @!p2 .LBB2_4-.Ltmp3, $4  }
0x70: {  	_ = 	snop  }
0x71: {  	_ =	swait.ge @!p0 [sflag:s29], $0x2800  }
0x72: {  	p1 =	por $0x0, $0x0;
	s30 =	simm.s32 $0x50;
	[sflag:s29] =	ssyncset.done @!p0 $0x0  }
0x73: {  	s0 =	sadd.s32 $0xFFFFFFFF, s0;
	[sflag:s29] =	ssyncadd.s32 @!p0 $0xFFFFD800;
	s29 =	simm.s32 $0x2850  }
0x74: {  	s31 =	simm.s32 $0x0  }
0x75: {  	[tilespmem:s21], [sflag:$0x1] =	stream.indirect.gather [hbm4b:s1+s23], $0x80, s31, s23, $0xb8;
	[tilespmem:$0x1DC00] =	vst v63  }
0x76: {  	_ = 	snop  }
0x77: {  	[tilespmem:s24], [sflag:$0x2] =	stream.indirect.gather [hbm4b:s1+s23], $0x80, s30, s23, $0xb8;
	[tilespmem:$0x1DC00] =	vst v63  }
0x78: {  	_ =	swait.ge [sflag:s25], $0x2800  }
0x79: {  	[sflag:s25] =	ssyncset.done $0x0  }
0x7a: {  	s30 =	simm.s32 $0x2800;
	[sflag:s25] =	ssyncadd.s32 $0xFFFFD800  }
0x7b: {  	[spmem:s3] =	stream.indirect.scatter.add.f32 [tilespmem:s21], [sflag:$0x3], $0x80, s30, s23, $0xb8;
	[tilespmem:$0x1DC00] =	vst v63  }
0x7c: {  	_ =	swait.ge [sflag:s22], $0x2800  }
0x7d: {  	[sflag:s22] =	ssyncset.done $0x0  }
0x7e: {  	[sflag:s22] =	ssyncadd.s32 $0xFFFFD800  }
0x7f: {  	p2 =	sne.s32 s0, $0x1;
	_ =	swait.ge [sflag:s26], $0x2800  }
.Ltmp4:
0x80: {  	[sflag:s26] =	ssyncset.done $0x0;
	(pc) =	sbr.rel @!p2 .LBB2_6-.Ltmp4, $4  }
0x81: {  	[sflag:s26] =	ssyncadd.s32 $0xFFFFD800  }
0x82: {  	[spmem:s3] =	stream.indirect.scatter.add.f32 [tilespmem:s24], [sflag:$0x3], $0x80, s29, s23, $0xb8;
	[tilespmem:$0x1DC00] =	vst v63  }
0x83: {  	s0 =	sadd.s32 $0xFFFFFFFF, s0;
	p1 =	por $0x1, $0x1;
	_ =	swait.ge [sflag:s22], $0x2800  }
0x84: {  	s31 =	simm.s32 $0x2850;
	s30 =	simm.s32 $0xF0;
	[sflag:s22] =	ssyncset.done $0x0  }
.LBB2_7:
0x85: {  	s28 =	sadd.s32 $0xFFFFFFB0, s30;
	[sflag:s22] =	ssyncadd.s32 $0xFFFFD800;
	s31 =	sadd.s32 $0xA0, s31  }
0x86: {  	[tilespmem:s21], [sflag:$0x1] =	stream.indirect.gather [hbm4b:s1+s23], $0x80, s28, s23, $0xb8;
	[tilespmem:$0x1DC00] =	vst v63  }
0x87: {  	p2 =	sne.s32 s0, $0x1;
	s0 =	sadd.s32 $0xFFFFFFFF, s0  }
0x88: {  	[tilespmem:s24], [sflag:$0x2] =	stream.indirect.gather [hbm4b:s1+s23], $0x80, s30, s23, $0xb8;
	[tilespmem:$0x1DC00] =	vst v63  }
0x89: {  	_ =	swait.ge [sflag:s25], $0x2800  }
0x8a: {  	[sflag:s25] =	ssyncset.done $0x0  }
0x8b: {  	s28 =	sadd.s32 $0xFFFFFFB0, s31;
	[sflag:s25] =	ssyncadd.s32 $0xFFFFD800  }
0x8c: {  	[spmem:s3] =	stream.indirect.scatter.add.f32 [tilespmem:s21], [sflag:$0x3], $0x80, s28, s23, $0xb8;
	[tilespmem:$0x1DC00] =	vst v63  }
0x8d: {  	_ =	swait.ge [sflag:s22], $0x2800  }
0x8e: {  	[sflag:s22] =	ssyncset.done $0x0  }
0x8f: {  	[sflag:s22] =	ssyncadd.s32 $0xFFFFD800  }
0x90: {  	_ =	swait.ge [sflag:s26], $0x2800  }
.Ltmp5:
0x91: {  	[sflag:s26] =	ssyncset.done $0x0;
	(pc) =	sbr.rel @p2 .LBB2_7-.Ltmp5, $4  }
0x92: {  	[sflag:s26] =	ssyncadd.s32 $0xFFFFD800  }
0x93: {  	[spmem:s3] =	stream.indirect.scatter.add.f32 [tilespmem:s24], [sflag:$0x3], $0x80, s31, s23, $0xb8;
	[tilespmem:$0x1DC00] =	vst v63  }
0x94: {  	_ =	swait.ge [sflag:s22], $0x2800  }
0x95: {  	s30 =	sadd.s32 $0xA0, s30;
	[sflag:s22] =	ssyncset.done $0x0  }
.LBB2_8:
0x96: {  	s0 =	sadd.s32 $0xFFFFFFB0, s30;
	[sflag:s22] =	ssyncadd.s32 @p1 $0xFFFFD800  }
0x97: {  	[tilespmem:s21], [sflag:$0x1] =	stream.indirect.gather [hbm4b:s1+s23], $0x80, s0, s23, $0xb8;
	[tilespmem:$0x1DC00] =	vst v63  }
0x98: {  	_ = 	snop  }
0x99: {  	[tilespmem:s24], [sflag:$0x2] =	stream.indirect.gather [hbm4b:s1+s23], $0x80, s30, s23, $0xb8;
	[tilespmem:$0x1DC00] =	vst v63  }
0x9a: {  	s0 =	sadd.s32 @p1 $0xA0, s31;
	_ =	swait.ge [sflag:s25], $0x2800  }
0x9b: {  	s29 =	smov.u32 @p1 s0;
	[sflag:s25] =	ssyncset.done $0x0  }
0x9c: {  	s0 =	sadd.s32 $0xFFFFFFB0, s29;
	[sflag:s25] =	ssyncadd.s32 $0xFFFFD800  }
0x9d: {  	[spmem:s3] =	stream.indirect.scatter.add.f32 [tilespmem:s21], [sflag:$0x3], $0x80, s0, s23, $0xb8;
	[tilespmem:$0x1DC00] =	vst v63  }
0x9e: {  	_ =	swait.ge [sflag:s22], $0x2800  }
0x9f: {  	[sflag:s22] =	ssyncset.done $0x0  }
0xa0: {  	[sflag:s22] =	ssyncadd.s32 $0xFFFFD800  }
0xa1: {  	_ =	swait.ge [sflag:s26], $0x2800  }
0xa2: {  	[sflag:s26] =	ssyncset.done $0x0  }
.Ltmp6:
0xa3: {  	[sflag:s26] =	ssyncadd.s32 $0xFFFFD800;
	(pc) =	sbr.rel @p0 .LBB2_12-.Ltmp6, $4  }
0xa4: {  	[spmem:s3] =	stream.indirect.scatter.add.f32 [tilespmem:s24], [sflag:$0x3], $0x80, s29, s23, $0xb8;
	[tilespmem:$0x1DC00] =	vst v63  }
0xa5: {  	_ =	swait.ge [sflag:s22], $0x2800  }
0xa6: {  	[sflag:s22] =	ssyncset.done $0x0  }
0xa7: {  	[sflag:s22] =	ssyncadd.s32 $0xFFFFD800  }
0xa8: {  	s0 =	simm.s32 $0x0  }
0xa9: {  	[tilespmem:s0], [sflag:$0x3] =	stream.linear.gather [hbm4b:s17+s0], $0x2300, $0x38;
	[tilespmem:$0x1DC00] =	vst v63  }
0xaa: {  	_ =	swait.ge [sflag:s22], $0x2300  }
0xab: {  	[sflag:s22] =	ssyncset.done $0x0  }
0xac: {  	s28 =	simm.s32 $0x2800;
	[sflag:s22] =	ssyncadd.s32 $0xFFFFDD00  }
0xad: {  	[tilespmem:s28], [sflag:$0x3] =	stream.linear.gather [hbm4b:s18+s0], $0x2300, $0x38;
	[tilespmem:$0x1DC00] =	vst v63  }
0xae: {  	_ =	swait.ge [sflag:s22], $0x2300  }
0xaf: {  	[sflag:s22] =	ssyncset.done $0x0  }
0xb0: {  	s31 =	simm.s32 $0x0;
	[sflag:s22] =	ssyncadd.s32 $0xFFFFDD00  }
0xb1: {  	[tilespmem:s21], [sflag:$0x1] =	stream.indirect.gather [hbm4b:s1+s23], $0x80, s31, s23, $0xb8;
	[tilespmem:$0x1DC00] =	vst v63  }
0xb2: {  	s28 =	simm.s32 $0x50  }
0xb3: {  	[tilespmem:s24], [sflag:$0x2] =	stream.indirect.gather [hbm4b:s1+s23], $0x80, s28, s23, $0xb8;
	[tilespmem:$0x1DC00] =	vst v63  }
0xb4: {  	_ =	swait.ge [sflag:s25], $0x2800  }
0xb5: {  	[sflag:s25] =	ssyncset.done $0x0  }
0xb6: {  	s30 =	simm.s32 $0x2800;
	[sflag:s25] =	ssyncadd.s32 $0xFFFFD800  }
0xb7: {  	[spmem:s3] =	stream.indirect.scatter.add.f32 [tilespmem:s21], [sflag:$0x3], $0x80, s30, s23, $0xb8;
	[tilespmem:$0x1DC00] =	vst v63  }
0xb8: {  	_ =	swait.ge [sflag:s22], $0x2800  }
0xb9: {  	[sflag:s22] =	ssyncset.done $0x0  }
0xba: {  	[sflag:s22] =	ssyncadd.s32 $0xFFFFD800  }
0xbb: {  	_ =	swait.ge [sflag:s26], $0x2800  }
0xbc: {  	[sflag:s26] =	ssyncset.done $0x0  }
0xbd: {  	s31 =	simm.s32 $0x2850;
	[sflag:s26] =	ssyncadd.s32 $0xFFFFD800  }
0xbe: {  	[spmem:s3] =	stream.indirect.scatter.add.f32 [tilespmem:s24], [sflag:$0x3], $0x80, s31, s23, $0xb8;
	[tilespmem:$0x1DC00] =	vst v63  }
0xbf: {  	_ =	swait.ge [sflag:s22], $0x2800  }
0xc0: {  	s29 =	simm.s32 $0x500;
	s0 =	simm.s32 $0x280;
	[sflag:s22] =	ssyncset.done $0x0  }
.LBB2_10:
0xc1: {  	s28 =	sshra.s32 s0, $0x2  }
0xc2: {  	[sflag:s22] =	ssyncadd.s32 $0xFFFFD800;
	s0 =	smov.u32 s29;
	s30 =	sadd.s32 $0x280, s29  }
0xc3: {  	[tilespmem:s21], [sflag:$0x1] =	stream.indirect.gather [hbm4b:s1+s23], $0x80, s28, s23, $0xb8;
	[tilespmem:$0x1DC00] =	vst v63  }
0xc4: {  	p1 =	sne.s32 s29, $0x8980;
	s29 =	sadd.s32 $0x50, s28  }
0xc5: {  	[tilespmem:s24], [sflag:$0x2] =	stream.indirect.gather [hbm4b:s1+s23], $0x80, s29, s23, $0xb8;
	[tilespmem:$0x1DC00] =	vst v63  }
0xc6: {  	_ =	swait.ge [sflag:s25], $0x2800  }
0xc7: {  	[sflag:s25] =	ssyncset.done $0x0  }
0xc8: {  	s29 =	sadd.s32 $0x2800, s28;
	[sflag:s25] =	ssyncadd.s32 $0xFFFFD800  }
0xc9: {  	[spmem:s3] =	stream.indirect.scatter.add.f32 [tilespmem:s21], [sflag:$0x3], $0x80, s29, s23, $0xb8;
	[tilespmem:$0x1DC00] =	vst v63  }
0xca: {  	_ =	swait.ge [sflag:s22], $0x2800  }
0xcb: {  	[sflag:s22] =	ssyncset.done $0x0  }
0xcc: {  	[sflag:s22] =	ssyncadd.s32 $0xFFFFD800  }
0xcd: {  	_ =	swait.ge [sflag:s26], $0x2800  }
.Ltmp7:
0xce: {  	[sflag:s26] =	ssyncset.done $0x0;
	(pc) =	sbr.rel @p1 .LBB2_10-.Ltmp7, $4  }
0xcf: {  	s28 =	sadd.s32 $0x2850, s28;
	[sflag:s26] =	ssyncadd.s32 $0xFFFFD800  }
0xd0: {  	[spmem:s3] =	stream.indirect.scatter.add.f32 [tilespmem:s24], [sflag:$0x3], $0x80, s28, s23, $0xb8;
	[tilespmem:$0x1DC00] =	vst v63  }
0xd1: {  	_ =	swait.ge [sflag:s22], $0x2800  }
0xd2: {  	s29 =	smov.u32 s30;
	[sflag:s22] =	ssyncset.done $0x0  }
.Ltmp8:
0xd3: {  	_ = 	snop;
	(pc) =	sbr.rel .LBB2_11-.Ltmp8, $1  }
0xd4: {  	_ =	sdelay $0x3  }
.LBB2_4:
.Ltmp9:
0xd5: {  	(pc) =	sbr.rel .LBB2_8-.Ltmp9, $2  }
0xd6: {  	_ =	sdelay $0x2  }
0xd7: {  	s31 =	simm.s32 $0x2850  }
.LBB2_6:
.Ltmp10:
0xd8: {  	(pc) =	sbr.rel .LBB2_8-.Ltmp10, $2  }
0xd9: {  	_ =	sdelay $0x2  }
0xda: {  	s31 =	simm.s32 $0x2850  }
.LBB2_13:
0xdb: {  	_ =	sfence.sel $0x180000  }
0xdc: {  	[bflag:$0x0] =	sbarrier.arrive $0xFFFF  }
0xdd: {  	_ =	strace $0x9000004A  }
0xde: {  	[bflag:$0x2] =	sbarrier.arrive $0xFFFF  }
0xdf: {  	p0 =	sne.s32 s2, $0x0;
	s0 =	rddreg [dreg:$0x3]  }
0xe0: {  	s0 =	sadd.s32 @!p0 $0x100000, s0  }
0xe1: {  	[sflag:s0] =	ssyncadd.tile.s32 @!p0 $0x1;
	_ =	shalt  }
.Lfunc_end2:
_tile_overlayer_lowered:
.L_overlay_start_2:
0xe2: {  	(tag) =	ssettag $0x2  }
0xe3: {  	s0 =	rddreg [dreg:$0x0];
	s2 =	stileid.u32  }
0xe4: {  	s1 =	rddreg [dreg:$0x1];
	p0 =	sne.s32 s2, $0x0  }
0xe5: {  	s3 =	rddreg [dreg:$0x2];
	[bflag:$0x3] =	sbarrier.arrive $0xFFFF;
	s2 =	simm.s32 @!p0 $0x1C03  }
0xe6: {  	[timem:s3], [sflag:s2] =	dma.local @!p0 [hbm:s0], s1  }
0xe7: {  	s0 =	simm.s32 @!p0 $0x3  }
0xe8: {  	_ =	swait.ge @!p0 [sflag:s0], s1  }
0xe9: {  	s1 =	ssub.s32 @!p0 $0x0, s1;
	[sflag:s0] =	ssyncset.done @!p0 $0x0  }
0xea: {  	[sflag:s0] =	ssyncadd.s32 @!p0 s1  }
0xeb: {  	[bflag:$0x3] =	sbarrier.arrive $0xFFFF  }
0xec: {  	_ =	shalt  }

</sc_bundles>
